<compile_context>
chip_gen: v7x
topology: tpu7x:2x2x1
jax: 0.10.2.dev20260603
libtpu: 0.0.44.dev20260713+nightly
codegen_flags: <defaults>
</compile_context>

<pallas_src>
import functools

import jax
import jax.numpy as jnp
from jax import lax
from jax.experimental import pallas as pl
from jax.experimental.pallas import tpu as pltpu
from jax.experimental.pallas import tpu_sc as plsc

B, L = 1024, 169
TILE_CLASSES, WIDTH, HEIGHT, H, O = 32, 13, 13, 128, 256
NCOMB = TILE_CLASSES * WIDTH * HEIGHT

NC, NS = 2, 16
NL, NB = 4, 8
BC = B // NB
LG = 44
NBUF = 3
_L_STARTS = (0, 43, 85, 127)
_L_SIZES = (43, 42, 42, 42)


def _ln_gelu(t, g, b):
    mu = jnp.mean(t, axis=-1, keepdims=True)
    var = jnp.mean((t - mu) ** 2, axis=-1, keepdims=True)
    v = (t - mu) / jnp.sqrt(var + 1e-5) * g + b
    return 0.5 * v * (1.0 + lax.erf(v * (2.0 ** -0.5)))


def _prep_body(tile_ref, x_ref, y_ref, tt_ref, tg_ref, tb_ref, ct_ref, cg_ref,
               cb_ref, rt_ref, rg_ref, rb_ref, w_ref, bias_ref, c_ref, idx_ref):
    f32 = jnp.float32
    pt = jnp.dot(_ln_gelu(tt_ref[...], tg_ref[...], tb_ref[...]),
                 w_ref[0:H, :], preferred_element_type=f32)
    pc = jnp.dot(_ln_gelu(ct_ref[...], cg_ref[...], cb_ref[...]),
                 w_ref[H:2 * H, :], preferred_element_type=f32)
    pr = jnp.dot(_ln_gelu(rt_ref[...], rg_ref[...], rb_ref[...]),
                 w_ref[2 * H:3 * H, :], preferred_element_type=f32)

    def onehot(nrows, ncols, row_to_col):
        r = lax.broadcasted_iota(jnp.int32, (nrows, ncols), 0)
        c = lax.broadcasted_iota(jnp.int32, (nrows, ncols), 1)
        return (row_to_col(r) == c).astype(f32)

    oht = onehot(NCOMB, TILE_CLASSES, lambda r: r // (WIDTH * HEIGHT))
    ohc = onehot(NCOMB, WIDTH, lambda r: (r // HEIGHT) % WIDTH)
    ohr = onehot(NCOMB, HEIGHT, lambda r: r % HEIGHT)
    c_ref[...] = (jnp.dot(oht, pt, preferred_element_type=f32)
                  + jnp.dot(ohc, pc, preferred_element_type=f32)
                  + jnp.dot(ohr, pr, preferred_element_type=f32)
                  + bias_ref[...])

    idx_t = jnp.transpose(tile_ref[...] * (WIDTH * HEIGHT)
                          + x_ref[...] * HEIGHT + y_ref[...])
    for g in range(NL):
        ls, n = _L_STARTS[g], _L_SIZES[g]
        idx_ref[g, 0:n, :] = idx_t[ls:ls + n, :]
        idx_ref[g, n:LG, :] = jnp.zeros((LG - n, B), jnp.int32)


def _prep(tile, x, y, tt, tg, tb, ct, cg, cb, rt, rg, rb, w, bias):
    return pl.pallas_call(
        _prep_body,
        out_shape=(
            jax.ShapeDtypeStruct((NCOMB, O), jnp.float32),
            jax.ShapeDtypeStruct((NL, LG, B), jnp.int32),
        ),
    )(tile, x, y, tt, tg.reshape(1, H), tb.reshape(1, H), ct,
      cg.reshape(1, H), cb.reshape(1, H), rt, rg.reshape(1, H),
      rb.reshape(1, H), w, bias.reshape(1, O))


def _sc_body(idx_hbm, c_hbm, out_hbm, idxw, *rest):
    bufs = rest[0:NBUF]
    gsems = rest[NBUF:2 * NBUF]
    ssems = rest[2 * NBUF:3 * NBUF]
    wid = lax.axis_index("s") * NC + lax.axis_index("c")
    g = wid // NB
    b0 = (wid % NB) * BC
    l_start = jnp.where(g == 0, 0, 43 + (g - 1) * 42)
    n_l = jnp.where(g == 0, 43, 42)

    pltpu.sync_copy(idx_hbm.at[g, :, pl.ds(b0, BC)], idxw)

    def g_desc(j, b):
        return pltpu.make_async_copy(c_hbm.at[idxw.at[j]], bufs[b], gsems[b])

    def s_desc(j, b):
        return pltpu.make_async_copy(
            bufs[b], out_hbm.at[l_start + j, pl.ds(b0, BC)], ssems[b])

    for b in range(NBUF):
        g_desc(b, b).start()

    def outer(k, _):
        for b in range(NBUF):
            j = k * NBUF + b

            @pl.when(j < n_l)
            def _body():
                g_desc(j, b).wait()
                s_desc(j, b).start()
                s_desc(j, b).wait()

                @pl.when(j + NBUF < n_l)
                def _next():
                    g_desc(j + NBUF, b).start()

        return _

    lax.fori_loop(0, (43 + NBUF - 1) // NBUF, outer, None)


_sc_gather = functools.partial(
    pl.kernel,
    out_type=jax.ShapeDtypeStruct((L, B, O), jnp.float32),
    mesh=plsc.VectorSubcoreMesh(core_axis_name="c", subcore_axis_name="s"),
    scratch_types=[
        pltpu.VMEM((LG, BC), jnp.int32),
        *([pltpu.VMEM((BC, O), jnp.float32)] * NBUF),
        *([pltpu.SemaphoreType.DMA] * (2 * NBUF)),
    ],
)(_sc_body)


def kernel(tile, x, y, tile_table, tile_g, tile_b, col_table, col_g, col_b,
           row_table, row_g, row_b, W, bias):
    c_table, idx4 = _prep(tile, x, y, tile_table, tile_g, tile_b, col_table,
                          col_g, col_b, row_table, row_g, row_b, W, bias)
    out = _sc_gather(idx4, c_table)
    return out.transpose(1, 0, 2)

# --- scband reference (transcript-rebuilt; emitter-appended) ---
"""Pipeline reference for scband-encoder-embedding-26972394619779 (READ-ONLY COPY).

The authoritative reference and input builder live on the scoring server;
editing this copy changes nothing except your own understanding.
"""

import jax, jax.numpy as jnp
import numpy as np


def layer_norm(v, g, b, eps=1e-5):
    mu = jnp.mean(v, axis=-1, keepdims=True)
    var = jnp.mean((v - mu) ** 2, axis=-1, keepdims=True)
    return (v - mu) / jnp.sqrt(var + eps) * g + b


def setup_inputs(seed: int = 0) -> dict:
    key = jax.random.key(seed)
    ks = jax.random.split(key, 8)
    B, L = 1024, 169
    TILE_CLASSES, WIDTH, HEIGHT, H, O = 32, 13, 13, 128, 256
    tile = jax.random.randint(ks[0], (B, L), 0, TILE_CLASSES, dtype=jnp.int32)
    x = jax.random.randint(ks[1], (B, L), 0, WIDTH, dtype=jnp.int32)
    y = jax.random.randint(ks[2], (B, L), 0, HEIGHT, dtype=jnp.int32)
    tile_table = jax.random.normal(ks[3], (TILE_CLASSES, H), dtype=jnp.float32) * 0.02
    col_table = jax.random.normal(ks[4], (WIDTH, H), dtype=jnp.float32) * 0.02
    row_table = jax.random.normal(ks[5], (HEIGHT, H), dtype=jnp.float32) * 0.02
    tile_g = jnp.ones((H,), jnp.float32); tile_b = jnp.zeros((H,), jnp.float32)
    col_g = jnp.ones((H,), jnp.float32); col_b = jnp.zeros((H,), jnp.float32)
    row_g = jnp.ones((H,), jnp.float32); row_b = jnp.zeros((H,), jnp.float32)
    W = jax.random.normal(ks[6], (3 * H, O), dtype=jnp.float32) * 0.02
    bias = jnp.zeros((O,), jnp.float32)
    return {"tile": tile, "x": x, "y": y,
            "tile_table": tile_table, "tile_g": tile_g, "tile_b": tile_b,
            "col_table": col_table, "col_g": col_g, "col_b": col_b,
            "row_table": row_table, "row_g": row_g, "row_b": row_b,
            "W": W, "bias": bias}


def reference(tile, x, y, tile_table, tile_g, tile_b, col_table, col_g, col_b,
              row_table, row_g, row_b, W, bias):
    tile_embed = jax.nn.gelu(layer_norm(jnp.take(tile_table, tile, axis=0), tile_g, tile_b), approximate=False)
    col_embed = jax.nn.gelu(layer_norm(jnp.take(col_table, x, axis=0), col_g, col_b), approximate=False)
    row_embed = jax.nn.gelu(layer_norm(jnp.take(row_table, y, axis=0), row_g, row_b), approximate=False)
    embed = jnp.concatenate([tile_embed, col_embed, row_embed], axis=2)
    fused = embed @ W + bias
    return fused

if __name__ == "__main__":
    import jax
    _d = setup_inputs()
    print(jax.jit(kernel)(*tuple(_d.values())))

</pallas_src>

<mosaic_0001>
#map = affine_map<(d0, d1) -> (0, 0, 0)>
#map1 = affine_map<(d0, d1) -> (0, 0)>
module attributes {stable_mosaic.version = 14 : i64} {
  func.func @_sc_body(%arg0: i32, %arg1: i32, %arg2: memref<4x44x1024xi32, #tpu.memory_space<hbm>>, %arg3: memref<5408x256xf32, #tpu.memory_space<hbm>>, %arg4: memref<169x1024x256xf32, #tpu.memory_space<hbm>>, %arg5: memref<44x128xi32, #tpu.memory_space<vmem>>, %arg6: memref<128x256xf32, #tpu.memory_space<vmem>>, %arg7: memref<128x256xf32, #tpu.memory_space<vmem>>, %arg8: memref<128x256xf32, #tpu.memory_space<vmem>>, %arg9: memref<!tpu.dma_semaphore, #tpu.memory_space<semaphore_mem>>, %arg10: memref<!tpu.dma_semaphore, #tpu.memory_space<semaphore_mem>>, %arg11: memref<!tpu.dma_semaphore, #tpu.memory_space<semaphore_mem>>, %arg12: memref<!tpu.dma_semaphore, #tpu.memory_space<semaphore_mem>>, %arg13: memref<!tpu.dma_semaphore, #tpu.memory_space<semaphore_mem>>, %arg14: memref<!tpu.dma_semaphore, #tpu.memory_space<semaphore_mem>>) attributes {dimension_semantics = [#tpu.dimension_semantics<core_parallel>, #tpu.dimension_semantics<subcore_parallel>], iteration_bounds = array<i64: 2, 16>, scalar_prefetch = 0 : i64, scratch_operands = 10 : i64, tpu.core_type = #tpu.core_type<sc_vector_subcore>, window_params = [{transform_indices = #map}, {transform_indices = #map1}, {transform_indices = #map}]} {
    %mul3A = arith.constant 2 : i32
    %mul3A_0 = arith.muli %arg1, %mul3A : i32
    %add3A = arith.addi %mul3A_0, %arg0 : i32
    %jit3A = arith.constant 8 : i32
    %div3A = arith.divsi %add3A, %jit3A : i32
    %sign3A = arith.constant 0 : i32
    %sign3A_1 = arith.cmpi sgt, %add3A, %sign3A : i32
    %sign3A_2 = arith.extui %sign3A_1 : i1 to i32
    %sign3A_3 = arith.constant 0 : i32
    %sign3A_4 = arith.cmpi slt, %add3A, %sign3A_3 : i32
    %sign3A_5 = arith.extui %sign3A_4 : i1 to i32
    %sign3A_6 = arith.subi %sign3A_2, %sign3A_5 : i32
    %sign3A_7 = arith.constant 0 : i32
    %sign3A_8 = arith.cmpi sgt, %jit3A, %sign3A_7 : i32
    %sign3A_9 = arith.extui %sign3A_8 : i1 to i32
    %sign3A_10 = arith.constant 0 : i32
    %sign3A_11 = arith.cmpi slt, %jit3A, %sign3A_10 : i32
    %sign3A_12 = arith.extui %sign3A_11 : i1 to i32
    %sign3A_13 = arith.subi %sign3A_9, %sign3A_12 : i32
    %ne3A = arith.cmpi ne, %sign3A_6, %sign3A_13 : i32
    %rem3A = arith.remsi %add3A, %jit3A : i32
    %ne3A_14 = arith.constant 0 : i32
    %ne3A_15 = arith.cmpi ne, %rem3A, %ne3A_14 : i32
    %and3A = arith.andi %ne3A, %ne3A_15 : i1
    %sub3A = arith.constant 1 : i32
    %sub3A_16 = arith.subi %div3A, %sub3A : i32
    %select_n3A = arith.select %and3A, %sub3A_16, %div3A : i32
    %jit3A_17 = arith.constant 8 : i32
    %eq3A = arith.constant 0 : i32
    %eq3A_18 = arith.cmpi eq, %jit3A_17, %eq3A : i32
    %jit3A_19 = arith.constant 1 : i32
    %select_n3A_20 = arith.select %eq3A_18, %jit3A_19, %jit3A_17 : i32
    %rem3A_21 = arith.remsi %add3A, %select_n3A_20 : i32
    %ne3A_22 = arith.constant 0 : i32
    %ne3A_23 = arith.cmpi ne, %rem3A_21, %ne3A_22 : i32
    %lt3A = arith.constant 0 : i32
    %lt3A_24 = arith.cmpi slt, %rem3A_21, %lt3A : i32
    %lt3A_25 = arith.constant 0 : i32
    %lt3A_26 = arith.cmpi slt, %select_n3A_20, %lt3A_25 : i32
    %ne3A_27 = arith.xori %lt3A_24, %lt3A_26 : i1
    %and3A_28 = arith.andi %ne3A_27, %ne3A_23 : i1
    %add3A_29 = arith.addi %rem3A_21, %select_n3A_20 : i32
    %select_n3A_30 = arith.select %and3A_28, %add3A_29, %rem3A_21 : i32
    %mul3A_31 = arith.constant 128 : i32
    %mul3A_32 = arith.muli %select_n3A_30, %mul3A_31 : i32
    %eq3A_33 = arith.constant 0 : i32
    %eq3A_34 = arith.cmpi eq, %select_n3A, %eq3A_33 : i32
    %sub3A_35 = arith.constant 1 : i32
    %sub3A_36 = arith.subi %select_n3A, %sub3A_35 : i32
    %mul3A_37 = arith.constant 42 : i32
    %mul3A_38 = arith.muli %sub3A_36, %mul3A_37 : i32
    %add3A_39 = arith.constant 43 : i32
    %add3A_40 = arith.addi %add3A_39, %mul3A_38 : i32
    %jit3A_41 = arith.constant 0 : i32
    %select_n3A_42 = arith.select %eq3A_34, %jit3A_41, %add3A_40 : i32
    %eq3A_43 = arith.constant 0 : i32
    %eq3A_44 = arith.cmpi eq, %select_n3A, %eq3A_43 : i32
    %jit3A_45 = arith.constant 43 : i32
    %jit3A_46 = arith.constant 42 : i32
    %select_n3A_47 = arith.select %eq3A_44, %jit3A_45, %jit3A_46 : i32
    "tpu.region"() ({
      %run_scoped3A = tpu.sem_alloc : memref<!tpu.dma_semaphore, #tpu.memory_space<semaphore_mem>>
      %dma_start3A_72 = arith.constant 0 : i32
      %dma_start3A_73 = tpu.memref_slice %arg2[%select_n3A, %dma_start3A_72, %mul3A_32] : memref<4x44x1024xi32, #tpu.memory_space<hbm>> -> memref<1x44x128xi32, #tpu.memory_space<hbm>>
      %dma_start3A_74 = tpu.memref_squeeze %dma_start3A_73 : memref<1x44x128xi32, #tpu.memory_space<hbm>> -> memref<44x128xi32, #tpu.memory_space<hbm>>
      %dma_start3A_75 = arith.constant 0 : i32
      %dma_start3A_76 = tpu.memref_slice %arg2[%select_n3A, %dma_start3A_75, %mul3A_32] : memref<4x44x1024xi32, #tpu.memory_space<hbm>> -> memref<1x44x128xi32, #tpu.memory_space<hbm>>
      %dma_start3A_77 = tpu.memref_squeeze %dma_start3A_76 : memref<1x44x128xi32, #tpu.memory_space<hbm>> -> memref<44x128xi32, #tpu.memory_space<hbm>>
      tpu.enqueue_dma source(%dma_start3A_77 : memref<44x128xi32, #tpu.memory_space<hbm>>) target(%arg5 : memref<44x128xi32, #tpu.memory_space<vmem>>) target_semaphore(%run_scoped3A : memref<!tpu.dma_semaphore, #tpu.memory_space<semaphore_mem>>)
      %dma_wait3A = arith.constant 0 : i32
      %dma_wait3A_78 = tpu.memref_slice %arg2[%select_n3A, %dma_wait3A, %mul3A_32] : memref<4x44x1024xi32, #tpu.memory_space<hbm>> -> memref<1x44x128xi32, #tpu.memory_space<hbm>>
      %dma_wait3A_79 = tpu.memref_squeeze %dma_wait3A_78 : memref<1x44x128xi32, #tpu.memory_space<hbm>> -> memref<44x128xi32, #tpu.memory_space<hbm>>
      %dma_wait3A_80 = arith.constant 0 : i32
      %dma_wait3A_81 = tpu.memref_slice %arg2[%select_n3A, %dma_wait3A_80, %mul3A_32] : memref<4x44x1024xi32, #tpu.memory_space<hbm>> -> memref<1x44x128xi32, #tpu.memory_space<hbm>>
      %dma_wait3A_82 = tpu.memref_squeeze %dma_wait3A_81 : memref<1x44x128xi32, #tpu.memory_space<hbm>> -> memref<44x128xi32, #tpu.memory_space<hbm>>
      tpu.wait_dma2 semaphore(%run_scoped3A : memref<!tpu.dma_semaphore, #tpu.memory_space<semaphore_mem>>) src(%dma_wait3A_82 : memref<44x128xi32, #tpu.memory_space<hbm>>) dst(%arg5 : memref<44x128xi32, #tpu.memory_space<vmem>>)
      tpu.yield
    }) : () -> ()
    %dma_start3A = arith.constant 0 : i32
    %dma_start3A_48 = arith.constant 0 : i32
    %dma_start3A_49 = tpu.memref_slice %arg5[%dma_start3A, %dma_start3A_48] : memref<44x128xi32, #tpu.memory_space<vmem>> -> memref<1x128xi32, #tpu.memory_space<vmem>>
    %dma_start3A_50 = tpu.memref_squeeze %dma_start3A_49 : memref<1x128xi32, #tpu.memory_space<vmem>> -> memref<128xi32, #tpu.memory_space<vmem>>
    %dma_start3A_51 = arith.constant 0 : i32
    %dma_start3A_52 = arith.constant 0 : i32
    %dma_start3A_53 = tpu.memref_slice %arg3[%dma_start3A_51, %dma_start3A_52] : memref<5408x256xf32, #tpu.memory_space<hbm>> -> memref<5408x256xf32, #tpu.memory_space<hbm>>
    tpu.enqueue_indirect_dma source(%dma_start3A_53 : memref<5408x256xf32, #tpu.memory_space<hbm>>) target(%arg6 : memref<128x256xf32, #tpu.memory_space<vmem>>) offsets(%dma_start3A_50 : memref<128xi32, #tpu.memory_space<vmem>>) semaphore(%arg9 : memref<!tpu.dma_semaphore, #tpu.memory_space<semaphore_mem>>)
    %dma_start3A_54 = arith.constant 1 : i32
    %dma_start3A_55 = arith.constant 0 : i32
    %dma_start3A_56 = tpu.memref_slice %arg5[%dma_start3A_54, %dma_start3A_55] : memref<44x128xi32, #tpu.memory_space<vmem>> -> memref<1x128xi32, #tpu.memory_space<vmem>>
    %dma_start3A_57 = tpu.memref_squeeze %dma_start3A_56 : memref<1x128xi32, #tpu.memory_space<vmem>> -> memref<128xi32, #tpu.memory_space<vmem>>
    %dma_start3A_58 = arith.constant 0 : i32
    %dma_start3A_59 = arith.constant 0 : i32
    %dma_start3A_60 = tpu.memref_slice %arg3[%dma_start3A_58, %dma_start3A_59] : memref<5408x256xf32, #tpu.memory_space<hbm>> -> memref<5408x256xf32, #tpu.memory_space<hbm>>
    tpu.enqueue_indirect_dma source(%dma_start3A_60 : memref<5408x256xf32, #tpu.memory_space<hbm>>) target(%arg7 : memref<128x256xf32, #tpu.memory_space<vmem>>) offsets(%dma_start3A_57 : memref<128xi32, #tpu.memory_space<vmem>>) semaphore(%arg10 : memref<!tpu.dma_semaphore, #tpu.memory_space<semaphore_mem>>)
    %dma_start3A_61 = arith.constant 2 : i32
    %dma_start3A_62 = arith.constant 0 : i32
    %dma_start3A_63 = tpu.memref_slice %arg5[%dma_start3A_61, %dma_start3A_62] : memref<44x128xi32, #tpu.memory_space<vmem>> -> memref<1x128xi32, #tpu.memory_space<vmem>>
    %dma_start3A_64 = tpu.memref_squeeze %dma_start3A_63 : memref<1x128xi32, #tpu.memory_space<vmem>> -> memref<128xi32, #tpu.memory_space<vmem>>
    %dma_start3A_65 = arith.constant 0 : i32
    %dma_start3A_66 = arith.constant 0 : i32
    %dma_start3A_67 = tpu.memref_slice %arg3[%dma_start3A_65, %dma_start3A_66] : memref<5408x256xf32, #tpu.memory_space<hbm>> -> memref<5408x256xf32, #tpu.memory_space<hbm>>
    tpu.enqueue_indirect_dma source(%dma_start3A_67 : memref<5408x256xf32, #tpu.memory_space<hbm>>) target(%arg8 : memref<128x256xf32, #tpu.memory_space<vmem>>) offsets(%dma_start3A_64 : memref<128xi32, #tpu.memory_space<vmem>>) semaphore(%arg11 : memref<!tpu.dma_semaphore, #tpu.memory_space<semaphore_mem>>)
    %scan3A = arith.constant 0 : i32
    %scan3A_68 = arith.constant 15 : i32
    %scan3A_69 = arith.addi %scan3A, %scan3A_68 : i32
    %scan3A_70 = arith.constant 1 : i32
    scf.for %scan3A_72 = %scan3A to %scan3A_69 step %scan3A_70  : i32 {
      %mul3A_73 = arith.constant 3 : i32
      %mul3A_74 = arith.muli %scan3A_72, %mul3A_73 : i32
      %add3A_75 = arith.constant 0 : i32
      %add3A_76 = arith.addi %mul3A_74, %add3A_75 : i32
      %lt3A_77 = arith.cmpi slt, %add3A_76, %select_n3A_47 : i32
      %convert_element_type3A = arith.extui %lt3A_77 : i1 to i32
      %cond3A = arith.constant 0 : i32
      %cond3A_78 = arith.cmpi ne, %convert_element_type3A, %cond3A : i32
      scf.if %cond3A_78 {
        %dma_wait3A = arith.constant 0 : i32
        %dma_wait3A_95 = tpu.memref_slice %arg5[%add3A_76, %dma_wait3A] : memref<44x128xi32, #tpu.memory_space<vmem>> -> memref<1x128xi32, #tpu.memory_space<vmem>>
        %dma_wait3A_96 = tpu.memref_squeeze %dma_wait3A_95 : memref<1x128xi32, #tpu.memory_space<vmem>> -> memref<128xi32, #tpu.memory_space<vmem>>
        %dma_wait3A_97 = arith.constant 0 : i32
        %dma_wait3A_98 = arith.constant 0 : i32
        %dma_wait3A_99 = tpu.memref_slice %arg3[%dma_wait3A_97, %dma_wait3A_98] : memref<5408x256xf32, #tpu.memory_space<hbm>> -> memref<5408x256xf32, #tpu.memory_space<hbm>>
        tpu.wait_indirect_dma semaphore(%arg9 : memref<!tpu.dma_semaphore, #tpu.memory_space<semaphore_mem>>) src(%dma_wait3A_99 : memref<5408x256xf32, #tpu.memory_space<hbm>>) dst(%arg6 : memref<128x256xf32, #tpu.memory_space<vmem>>)
        %add3A_100 = arith.addi %select_n3A_42, %add3A_76 : i32
        %dma_start3A_101 = arith.constant 0 : i32
        %dma_start3A_102 = tpu.memref_slice %arg4[%add3A_100, %mul3A_32, %dma_start3A_101] : memref<169x1024x256xf32, #tpu.memory_space<hbm>> -> memref<1x128x256xf32, #tpu.memory_space<hbm>>
        %dma_start3A_103 = tpu.memref_squeeze %dma_start3A_102 : memref<1x128x256xf32, #tpu.memory_space<hbm>> -> memref<128x256xf32, #tpu.memory_space<hbm>>
        %dma_start3A_104 = arith.constant 0 : i32
        %dma_start3A_105 = tpu.memref_slice %arg4[%add3A_100, %mul3A_32, %dma_start3A_104] : memref<169x1024x256xf32, #tpu.memory_space<hbm>> -> memref<1x128x256xf32, #tpu.memory_space<hbm>>
        %dma_start3A_106 = tpu.memref_squeeze %dma_start3A_105 : memref<1x128x256xf32, #tpu.memory_space<hbm>> -> memref<128x256xf32, #tpu.memory_space<hbm>>
        tpu.enqueue_dma source(%arg6 : memref<128x256xf32, #tpu.memory_space<vmem>>) target(%dma_start3A_106 : memref<128x256xf32, #tpu.memory_space<hbm>>) target_semaphore(%arg12 : memref<!tpu.dma_semaphore, #tpu.memory_space<semaphore_mem>>)
        %add3A_107 = arith.addi %select_n3A_42, %add3A_76 : i32
        %dma_wait3A_108 = arith.constant 0 : i32
        %dma_wait3A_109 = tpu.memref_slice %arg4[%add3A_107, %mul3A_32, %dma_wait3A_108] : memref<169x1024x256xf32, #tpu.memory_space<hbm>> -> memref<1x128x256xf32, #tpu.memory_space<hbm>>
        %dma_wait3A_110 = tpu.memref_squeeze %dma_wait3A_109 : memref<1x128x256xf32, #tpu.memory_space<hbm>> -> memref<128x256xf32, #tpu.memory_space<hbm>>
        %dma_wait3A_111 = arith.constant 0 : i32
        %dma_wait3A_112 = tpu.memref_slice %arg4[%add3A_107, %mul3A_32, %dma_wait3A_111] : memref<169x1024x256xf32, #tpu.memory_space<hbm>> -> memref<1x128x256xf32, #tpu.memory_space<hbm>>
        %dma_wait3A_113 = tpu.memref_squeeze %dma_wait3A_112 : memref<1x128x256xf32, #tpu.memory_space<hbm>> -> memref<128x256xf32, #tpu.memory_space<hbm>>
        tpu.wait_dma2 semaphore(%arg12 : memref<!tpu.dma_semaphore, #tpu.memory_space<semaphore_mem>>) src(%arg6 : memref<128x256xf32, #tpu.memory_space<vmem>>) dst(%dma_wait3A_113 : memref<128x256xf32, #tpu.memory_space<hbm>>)
        %add3A_114 = arith.constant 3 : i32
        %add3A_115 = arith.addi %add3A_76, %add3A_114 : i32
        %lt3A_116 = arith.cmpi slt, %add3A_115, %select_n3A_47 : i32
        %convert_element_type3A_117 = arith.extui %lt3A_116 : i1 to i32
        %cond3A_118 = arith.constant 0 : i32
        %cond3A_119 = arith.cmpi ne, %convert_element_type3A_117, %cond3A_118 : i32
        scf.if %cond3A_119 {
          %add3A_120 = arith.constant 3 : i32
          %add3A_121 = arith.addi %add3A_76, %add3A_120 : i32
          %dma_start3A_122 = arith.constant 0 : i32
          %dma_start3A_123 = tpu.memref_slice %arg5[%add3A_121, %dma_start3A_122] : memref<44x128xi32, #tpu.memory_space<vmem>> -> memref<1x128xi32, #tpu.memory_space<vmem>>
          %dma_start3A_124 = tpu.memref_squeeze %dma_start3A_123 : memref<1x128xi32, #tpu.memory_space<vmem>> -> memref<128xi32, #tpu.memory_space<vmem>>
          %dma_start3A_125 = arith.constant 0 : i32
          %dma_start3A_126 = arith.constant 0 : i32
          %dma_start3A_127 = tpu.memref_slice %arg3[%dma_start3A_125, %dma_start3A_126] : memref<5408x256xf32, #tpu.memory_space<hbm>> -> memref<5408x256xf32, #tpu.memory_space<hbm>>
          tpu.enqueue_indirect_dma source(%dma_start3A_127 : memref<5408x256xf32, #tpu.memory_space<hbm>>) target(%arg6 : memref<128x256xf32, #tpu.memory_space<vmem>>) offsets(%dma_start3A_124 : memref<128xi32, #tpu.memory_space<vmem>>) semaphore(%arg9 : memref<!tpu.dma_semaphore, #tpu.memory_space<semaphore_mem>>)
        } else {
        }
      } else {
      }
      %mul3A_79 = arith.constant 3 : i32
      %mul3A_80 = arith.muli %scan3A_72, %mul3A_79 : i32
      %add3A_81 = arith.constant 1 : i32
      %add3A_82 = arith.addi %mul3A_80, %add3A_81 : i32
      %lt3A_83 = arith.cmpi slt, %add3A_82, %select_n3A_47 : i32
      %convert_element_type3A_84 = arith.extui %lt3A_83 : i1 to i32
      %cond3A_85 = arith.constant 0 : i32
      %cond3A_86 = arith.cmpi ne, %convert_element_type3A_84, %cond3A_85 : i32
      scf.if %cond3A_86 {
        %dma_wait3A = arith.constant 0 : i32
        %dma_wait3A_95 = tpu.memref_slice %arg5[%add3A_82, %dma_wait3A] : memref<44x128xi32, #tpu.memory_space<vmem>> -> memref<1x128xi32, #tpu.memory_space<vmem>>
        %dma_wait3A_96 = tpu.memref_squeeze %dma_wait3A_95 : memref<1x128xi32, #tpu.memory_space<vmem>> -> memref<128xi32, #tpu.memory_space<vmem>>
        %dma_wait3A_97 = arith.constant 0 : i32
        %dma_wait3A_98 = arith.constant 0 : i32
        %dma_wait3A_99 = tpu.memref_slice %arg3[%dma_wait3A_97, %dma_wait3A_98] : memref<5408x256xf32, #tpu.memory_space<hbm>> -> memref<5408x256xf32, #tpu.memory_space<hbm>>
        tpu.wait_indirect_dma semaphore(%arg10 : memref<!tpu.dma_semaphore, #tpu.memory_space<semaphore_mem>>) src(%dma_wait3A_99 : memref<5408x256xf32, #tpu.memory_space<hbm>>) dst(%arg7 : memref<128x256xf32, #tpu.memory_space<vmem>>)
        %add3A_100 = arith.addi %select_n3A_42, %add3A_82 : i32
        %dma_start3A_101 = arith.constant 0 : i32
        %dma_start3A_102 = tpu.memref_slice %arg4[%add3A_100, %mul3A_32, %dma_start3A_101] : memref<169x1024x256xf32, #tpu.memory_space<hbm>> -> memref<1x128x256xf32, #tpu.memory_space<hbm>>
        %dma_start3A_103 = tpu.memref_squeeze %dma_start3A_102 : memref<1x128x256xf32, #tpu.memory_space<hbm>> -> memref<128x256xf32, #tpu.memory_space<hbm>>
        %dma_start3A_104 = arith.constant 0 : i32
        %dma_start3A_105 = tpu.memref_slice %arg4[%add3A_100, %mul3A_32, %dma_start3A_104] : memref<169x1024x256xf32, #tpu.memory_space<hbm>> -> memref<1x128x256xf32, #tpu.memory_space<hbm>>
        %dma_start3A_106 = tpu.memref_squeeze %dma_start3A_105 : memref<1x128x256xf32, #tpu.memory_space<hbm>> -> memref<128x256xf32, #tpu.memory_space<hbm>>
        tpu.enqueue_dma source(%arg7 : memref<128x256xf32, #tpu.memory_space<vmem>>) target(%dma_start3A_106 : memref<128x256xf32, #tpu.memory_space<hbm>>) target_semaphore(%arg13 : memref<!tpu.dma_semaphore, #tpu.memory_space<semaphore_mem>>)
        %add3A_107 = arith.addi %select_n3A_42, %add3A_82 : i32
        %dma_wait3A_108 = arith.constant 0 : i32
        %dma_wait3A_109 = tpu.memref_slice %arg4[%add3A_107, %mul3A_32, %dma_wait3A_108] : memref<169x1024x256xf32, #tpu.memory_space<hbm>> -> memref<1x128x256xf32, #tpu.memory_space<hbm>>
        %dma_wait3A_110 = tpu.memref_squeeze %dma_wait3A_109 : memref<1x128x256xf32, #tpu.memory_space<hbm>> -> memref<128x256xf32, #tpu.memory_space<hbm>>
        %dma_wait3A_111 = arith.constant 0 : i32
        %dma_wait3A_112 = tpu.memref_slice %arg4[%add3A_107, %mul3A_32, %dma_wait3A_111] : memref<169x1024x256xf32, #tpu.memory_space<hbm>> -> memref<1x128x256xf32, #tpu.memory_space<hbm>>
        %dma_wait3A_113 = tpu.memref_squeeze %dma_wait3A_112 : memref<1x128x256xf32, #tpu.memory_space<hbm>> -> memref<128x256xf32, #tpu.memory_space<hbm>>
        tpu.wait_dma2 semaphore(%arg13 : memref<!tpu.dma_semaphore, #tpu.memory_space<semaphore_mem>>) src(%arg7 : memref<128x256xf32, #tpu.memory_space<vmem>>) dst(%dma_wait3A_113 : memref<128x256xf32, #tpu.memory_space<hbm>>)
        %add3A_114 = arith.constant 3 : i32
        %add3A_115 = arith.addi %add3A_82, %add3A_114 : i32
        %lt3A_116 = arith.cmpi slt, %add3A_115, %select_n3A_47 : i32
        %convert_element_type3A_117 = arith.extui %lt3A_116 : i1 to i32
        %cond3A_118 = arith.constant 0 : i32
        %cond3A_119 = arith.cmpi ne, %convert_element_type3A_117, %cond3A_118 : i32
        scf.if %cond3A_119 {
          %add3A_120 = arith.constant 3 : i32
          %add3A_121 = arith.addi %add3A_82, %add3A_120 : i32
          %dma_start3A_122 = arith.constant 0 : i32
          %dma_start3A_123 = tpu.memref_slice %arg5[%add3A_121, %dma_start3A_122] : memref<44x128xi32, #tpu.memory_space<vmem>> -> memref<1x128xi32, #tpu.memory_space<vmem>>
          %dma_start3A_124 = tpu.memref_squeeze %dma_start3A_123 : memref<1x128xi32, #tpu.memory_space<vmem>> -> memref<128xi32, #tpu.memory_space<vmem>>
          %dma_start3A_125 = arith.constant 0 : i32
          %dma_start3A_126 = arith.constant 0 : i32
          %dma_start3A_127 = tpu.memref_slice %arg3[%dma_start3A_125, %dma_start3A_126] : memref<5408x256xf32, #tpu.memory_space<hbm>> -> memref<5408x256xf32, #tpu.memory_space<hbm>>
          tpu.enqueue_indirect_dma source(%dma_start3A_127 : memref<5408x256xf32, #tpu.memory_space<hbm>>) target(%arg7 : memref<128x256xf32, #tpu.memory_space<vmem>>) offsets(%dma_start3A_124 : memref<128xi32, #tpu.memory_space<vmem>>) semaphore(%arg10 : memref<!tpu.dma_semaphore, #tpu.memory_space<semaphore_mem>>)
        } else {
        }
      } else {
      }
      %mul3A_87 = arith.constant 3 : i32
      %mul3A_88 = arith.muli %scan3A_72, %mul3A_87 : i32
      %add3A_89 = arith.constant 2 : i32
      %add3A_90 = arith.addi %mul3A_88, %add3A_89 : i32
      %lt3A_91 = arith.cmpi slt, %add3A_90, %select_n3A_47 : i32
      %convert_element_type3A_92 = arith.extui %lt3A_91 : i1 to i32
      %cond3A_93 = arith.constant 0 : i32
      %cond3A_94 = arith.cmpi ne, %convert_element_type3A_92, %cond3A_93 : i32
      scf.if %cond3A_94 {
        %dma_wait3A = arith.constant 0 : i32
        %dma_wait3A_95 = tpu.memref_slice %arg5[%add3A_90, %dma_wait3A] : memref<44x128xi32, #tpu.memory_space<vmem>> -> memref<1x128xi32, #tpu.memory_space<vmem>>
        %dma_wait3A_96 = tpu.memref_squeeze %dma_wait3A_95 : memref<1x128xi32, #tpu.memory_space<vmem>> -> memref<128xi32, #tpu.memory_space<vmem>>
        %dma_wait3A_97 = arith.constant 0 : i32
        %dma_wait3A_98 = arith.constant 0 : i32
        %dma_wait3A_99 = tpu.memref_slice %arg3[%dma_wait3A_97, %dma_wait3A_98] : memref<5408x256xf32, #tpu.memory_space<hbm>> -> memref<5408x256xf32, #tpu.memory_space<hbm>>
        tpu.wait_indirect_dma semaphore(%arg11 : memref<!tpu.dma_semaphore, #tpu.memory_space<semaphore_mem>>) src(%dma_wait3A_99 : memref<5408x256xf32, #tpu.memory_space<hbm>>) dst(%arg8 : memref<128x256xf32, #tpu.memory_space<vmem>>)
        %add3A_100 = arith.addi %select_n3A_42, %add3A_90 : i32
        %dma_start3A_101 = arith.constant 0 : i32
        %dma_start3A_102 = tpu.memref_slice %arg4[%add3A_100, %mul3A_32, %dma_start3A_101] : memref<169x1024x256xf32, #tpu.memory_space<hbm>> -> memref<1x128x256xf32, #tpu.memory_space<hbm>>
        %dma_start3A_103 = tpu.memref_squeeze %dma_start3A_102 : memref<1x128x256xf32, #tpu.memory_space<hbm>> -> memref<128x256xf32, #tpu.memory_space<hbm>>
        %dma_start3A_104 = arith.constant 0 : i32
        %dma_start3A_105 = tpu.memref_slice %arg4[%add3A_100, %mul3A_32, %dma_start3A_104] : memref<169x1024x256xf32, #tpu.memory_space<hbm>> -> memref<1x128x256xf32, #tpu.memory_space<hbm>>
        %dma_start3A_106 = tpu.memref_squeeze %dma_start3A_105 : memref<1x128x256xf32, #tpu.memory_space<hbm>> -> memref<128x256xf32, #tpu.memory_space<hbm>>
        tpu.enqueue_dma source(%arg8 : memref<128x256xf32, #tpu.memory_space<vmem>>) target(%dma_start3A_106 : memref<128x256xf32, #tpu.memory_space<hbm>>) target_semaphore(%arg14 : memref<!tpu.dma_semaphore, #tpu.memory_space<semaphore_mem>>)
        %add3A_107 = arith.addi %select_n3A_42, %add3A_90 : i32
        %dma_wait3A_108 = arith.constant 0 : i32
        %dma_wait3A_109 = tpu.memref_slice %arg4[%add3A_107, %mul3A_32, %dma_wait3A_108] : memref<169x1024x256xf32, #tpu.memory_space<hbm>> -> memref<1x128x256xf32, #tpu.memory_space<hbm>>
        %dma_wait3A_110 = tpu.memref_squeeze %dma_wait3A_109 : memref<1x128x256xf32, #tpu.memory_space<hbm>> -> memref<128x256xf32, #tpu.memory_space<hbm>>
        %dma_wait3A_111 = arith.constant 0 : i32
        %dma_wait3A_112 = tpu.memref_slice %arg4[%add3A_107, %mul3A_32, %dma_wait3A_111] : memref<169x1024x256xf32, #tpu.memory_space<hbm>> -> memref<1x128x256xf32, #tpu.memory_space<hbm>>
        %dma_wait3A_113 = tpu.memref_squeeze %dma_wait3A_112 : memref<1x128x256xf32, #tpu.memory_space<hbm>> -> memref<128x256xf32, #tpu.memory_space<hbm>>
        tpu.wait_dma2 semaphore(%arg14 : memref<!tpu.dma_semaphore, #tpu.memory_space<semaphore_mem>>) src(%arg8 : memref<128x256xf32, #tpu.memory_space<vmem>>) dst(%dma_wait3A_113 : memref<128x256xf32, #tpu.memory_space<hbm>>)
        %add3A_114 = arith.constant 3 : i32
        %add3A_115 = arith.addi %add3A_90, %add3A_114 : i32
        %lt3A_116 = arith.cmpi slt, %add3A_115, %select_n3A_47 : i32
        %convert_element_type3A_117 = arith.extui %lt3A_116 : i1 to i32
        %cond3A_118 = arith.constant 0 : i32
        %cond3A_119 = arith.cmpi ne, %convert_element_type3A_117, %cond3A_118 : i32
        scf.if %cond3A_119 {
          %add3A_120 = arith.constant 3 : i32
          %add3A_121 = arith.addi %add3A_90, %add3A_120 : i32
          %dma_start3A_122 = arith.constant 0 : i32
          %dma_start3A_123 = tpu.memref_slice %arg5[%add3A_121, %dma_start3A_122] : memref<44x128xi32, #tpu.memory_space<vmem>> -> memref<1x128xi32, #tpu.memory_space<vmem>>
          %dma_start3A_124 = tpu.memref_squeeze %dma_start3A_123 : memref<1x128xi32, #tpu.memory_space<vmem>> -> memref<128xi32, #tpu.memory_space<vmem>>
          %dma_start3A_125 = arith.constant 0 : i32
          %dma_start3A_126 = arith.constant 0 : i32
          %dma_start3A_127 = tpu.memref_slice %arg3[%dma_start3A_125, %dma_start3A_126] : memref<5408x256xf32, #tpu.memory_space<hbm>> -> memref<5408x256xf32, #tpu.memory_space<hbm>>
          tpu.enqueue_indirect_dma source(%dma_start3A_127 : memref<5408x256xf32, #tpu.memory_space<hbm>>) target(%arg8 : memref<128x256xf32, #tpu.memory_space<vmem>>) offsets(%dma_start3A_124 : memref<128xi32, #tpu.memory_space<vmem>>) semaphore(%arg11 : memref<!tpu.dma_semaphore, #tpu.memory_space<semaphore_mem>>)
        } else {
        }
      } else {
      }
    }
    %scan3A_71 = arith.constant 15 : i32
    return
  }
}

module attributes {stable_mosaic.version = 14 : i64} {
  func.func @_prep_body(%arg0: memref<1024x169xi32, #tpu.memory_space<vmem>>, %arg1: memref<1024x169xi32, #tpu.memory_space<vmem>>, %arg2: memref<1024x169xi32, #tpu.memory_space<vmem>>, %arg3: memref<32x128xf32, #tpu.memory_space<vmem>>, %arg4: memref<1x128xf32, #tpu.memory_space<vmem>>, %arg5: memref<1x128xf32, #tpu.memory_space<vmem>>, %arg6: memref<13x128xf32, #tpu.memory_space<vmem>>, %arg7: memref<1x128xf32, #tpu.memory_space<vmem>>, %arg8: memref<1x128xf32, #tpu.memory_space<vmem>>, %arg9: memref<13x128xf32, #tpu.memory_space<vmem>>, %arg10: memref<1x128xf32, #tpu.memory_space<vmem>>, %arg11: memref<1x128xf32, #tpu.memory_space<vmem>>, %arg12: memref<384x256xf32, #tpu.memory_space<vmem>>, %arg13: memref<1x256xf32, #tpu.memory_space<vmem>>, %arg14: memref<5408x256xf32, #tpu.memory_space<vmem>>, %arg15: memref<4x44x1024xi32, #tpu.memory_space<vmem>>) attributes {dimension_semantics = [], scalar_prefetch = 0 : i64, scratch_operands = 0 : i64, tpu.core_type = #tpu.core_type<tc>} {
    %get3A = arith.constant 0 : index
    %get3A_0 = arith.constant 0 : index
    %get3A_1 = vector.load %arg3[%get3A, %get3A_0] : memref<32x128xf32, #tpu.memory_space<vmem>>, vector<32x128xf32>
    %get3A_2 = arith.constant 0 : index
    %get3A_3 = arith.constant 0 : index
    %get3A_4 = vector.load %arg4[%get3A_2, %get3A_3] : memref<1x128xf32, #tpu.memory_space<vmem>>, vector<1x128xf32>
    %get3A_5 = arith.constant 0 : index
    %get3A_6 = arith.constant 0 : index
    %get3A_7 = vector.load %arg5[%get3A_5, %get3A_6] : memref<1x128xf32, #tpu.memory_space<vmem>>, vector<1x128xf32>
    %reduce_sum3A = arith.constant dense<0.000000e+00> : vector<32xf32>
    %reduce_sum3A_8 = vector.multi_reduction <add>, %get3A_1, %reduce_sum3A [1] : vector<32x128xf32> to vector<32xf32>
    %broadcast_in_dim3A = vector.shape_cast %reduce_sum3A_8 : vector<32xf32> to vector<32x1xf32>
    %div3A = arith.constant 1.280000e+02 : f32
    %div3A_9 = vector.broadcast %div3A : f32 to vector<32x1xf32>
    %div3A_10 = arith.divf %broadcast_in_dim3A, %div3A_9 : vector<32x1xf32>
    %sub3A = vector.broadcast %div3A_10 : vector<32x1xf32> to vector<32x128xf32>
    %sub3A_11 = arith.subf %get3A_1, %sub3A : vector<32x128xf32>
    %integer_pow3A = arith.mulf %sub3A_11, %sub3A_11 : vector<32x128xf32>
    %reduce_sum3A_12 = arith.constant dense<0.000000e+00> : vector<32xf32>
    %reduce_sum3A_13 = vector.multi_reduction <add>, %integer_pow3A, %reduce_sum3A_12 [1] : vector<32x128xf32> to vector<32xf32>
    %broadcast_in_dim3A_14 = vector.shape_cast %reduce_sum3A_13 : vector<32xf32> to vector<32x1xf32>
    %div3A_15 = arith.constant 1.280000e+02 : f32
    %div3A_16 = vector.broadcast %div3A_15 : f32 to vector<32x1xf32>
    %div3A_17 = arith.divf %broadcast_in_dim3A_14, %div3A_16 : vector<32x1xf32>
    %sub3A_18 = vector.broadcast %div3A_10 : vector<32x1xf32> to vector<32x128xf32>
    %sub3A_19 = arith.subf %get3A_1, %sub3A_18 : vector<32x128xf32>
    %add3A = arith.constant 9.99999974E-6 : f32
    %add3A_20 = vector.broadcast %add3A : f32 to vector<32x1xf32>
    %add3A_21 = arith.addf %div3A_17, %add3A_20 : vector<32x1xf32>
    %sqrt3A = math.sqrt %add3A_21 : vector<32x1xf32>
    %div3A_22 = vector.broadcast %sqrt3A : vector<32x1xf32> to vector<32x128xf32>
    %div3A_23 = arith.divf %sub3A_19, %div3A_22 : vector<32x128xf32>
    %mul3A = vector.broadcast %get3A_4 : vector<1x128xf32> to vector<32x128xf32>
    %mul3A_24 = arith.mulf %div3A_23, %mul3A : vector<32x128xf32>
    %add3A_25 = vector.broadcast %get3A_7 : vector<1x128xf32> to vector<32x128xf32>
    %add3A_26 = arith.addf %mul3A_24, %add3A_25 : vector<32x128xf32>
    %mul3A_27 = arith.constant 5.000000e-01 : f32
    %mul3A_28 = vector.broadcast %mul3A_27 : f32 to vector<32x128xf32>
    %mul3A_29 = arith.mulf %mul3A_28, %add3A_26 : vector<32x128xf32>
    %mul3A_30 = arith.constant 0.707106769 : f32
    %mul3A_31 = vector.broadcast %mul3A_30 : f32 to vector<32x128xf32>
    %mul3A_32 = arith.mulf %add3A_26, %mul3A_31 : vector<32x128xf32>
    %erf3A = math.erf %mul3A_32 : vector<32x128xf32>
    %add3A_33 = arith.constant 1.000000e+00 : f32
    %add3A_34 = vector.broadcast %add3A_33 : f32 to vector<32x128xf32>
    %add3A_35 = arith.addf %add3A_34, %erf3A : vector<32x128xf32>
    %mul3A_36 = arith.mulf %mul3A_29, %add3A_35 : vector<32x128xf32>
    %get3A_37 = arith.constant 0 : index
    %get3A_38 = arith.constant 0 : index
    %get3A_39 = vector.load %arg12[%get3A_37, %get3A_38] : memref<384x256xf32, #tpu.memory_space<vmem>>, vector<128x256xf32>
    %dot_general3A = arith.constant dense<0.000000e+00> : vector<32x256xf32>
    %dot_general3A_40 = tpu.matmul %mul3A_36, %get3A_39, %dot_general3A {dimension_numbers = #tpu.dot_dimension_numbers<[1], [0], [0], [1], [0, 0, 1, 1], [], []>, transpose_lhs_hint = false} : vector<32x128xf32>, vector<128x256xf32>, vector<32x256xf32> -> vector<32x256xf32>
    %get3A_41 = arith.constant 0 : index
    %get3A_42 = arith.constant 0 : index
    %get3A_43 = vector.load %arg6[%get3A_41, %get3A_42] : memref<13x128xf32, #tpu.memory_space<vmem>>, vector<13x128xf32>
    %get3A_44 = arith.constant 0 : index
    %get3A_45 = arith.constant 0 : index
    %get3A_46 = vector.load %arg7[%get3A_44, %get3A_45] : memref<1x128xf32, #tpu.memory_space<vmem>>, vector<1x128xf32>
    %get3A_47 = arith.constant 0 : index
    %get3A_48 = arith.constant 0 : index
    %get3A_49 = vector.load %arg8[%get3A_47, %get3A_48] : memref<1x128xf32, #tpu.memory_space<vmem>>, vector<1x128xf32>
    %reduce_sum3A_50 = arith.constant dense<0.000000e+00> : vector<13xf32>
    %reduce_sum3A_51 = vector.multi_reduction <add>, %get3A_43, %reduce_sum3A_50 [1] : vector<13x128xf32> to vector<13xf32>
    %broadcast_in_dim3A_52 = vector.shape_cast %reduce_sum3A_51 : vector<13xf32> to vector<13x1xf32>
    %div3A_53 = arith.constant 1.280000e+02 : f32
    %div3A_54 = vector.broadcast %div3A_53 : f32 to vector<13x1xf32>
    %div3A_55 = arith.divf %broadcast_in_dim3A_52, %div3A_54 : vector<13x1xf32>
    %sub3A_56 = vector.broadcast %div3A_55 : vector<13x1xf32> to vector<13x128xf32>
    %sub3A_57 = arith.subf %get3A_43, %sub3A_56 : vector<13x128xf32>
    %integer_pow3A_58 = arith.mulf %sub3A_57, %sub3A_57 : vector<13x128xf32>
    %reduce_sum3A_59 = arith.constant dense<0.000000e+00> : vector<13xf32>
    %reduce_sum3A_60 = vector.multi_reduction <add>, %integer_pow3A_58, %reduce_sum3A_59 [1] : vector<13x128xf32> to vector<13xf32>
    %broadcast_in_dim3A_61 = vector.shape_cast %reduce_sum3A_60 : vector<13xf32> to vector<13x1xf32>
    %div3A_62 = arith.constant 1.280000e+02 : f32
    %div3A_63 = vector.broadcast %div3A_62 : f32 to vector<13x1xf32>
    %div3A_64 = arith.divf %broadcast_in_dim3A_61, %div3A_63 : vector<13x1xf32>
    %sub3A_65 = vector.broadcast %div3A_55 : vector<13x1xf32> to vector<13x128xf32>
    %sub3A_66 = arith.subf %get3A_43, %sub3A_65 : vector<13x128xf32>
    %add3A_67 = arith.constant 9.99999974E-6 : f32
    %add3A_68 = vector.broadcast %add3A_67 : f32 to vector<13x1xf32>
    %add3A_69 = arith.addf %div3A_64, %add3A_68 : vector<13x1xf32>
    %sqrt3A_70 = math.sqrt %add3A_69 : vector<13x1xf32>
    %div3A_71 = vector.broadcast %sqrt3A_70 : vector<13x1xf32> to vector<13x128xf32>
    %div3A_72 = arith.divf %sub3A_66, %div3A_71 : vector<13x128xf32>
    %mul3A_73 = vector.broadcast %get3A_46 : vector<1x128xf32> to vector<13x128xf32>
    %mul3A_74 = arith.mulf %div3A_72, %mul3A_73 : vector<13x128xf32>
    %add3A_75 = vector.broadcast %get3A_49 : vector<1x128xf32> to vector<13x128xf32>
    %add3A_76 = arith.addf %mul3A_74, %add3A_75 : vector<13x128xf32>
    %mul3A_77 = arith.constant 5.000000e-01 : f32
    %mul3A_78 = vector.broadcast %mul3A_77 : f32 to vector<13x128xf32>
    %mul3A_79 = arith.mulf %mul3A_78, %add3A_76 : vector<13x128xf32>
    %mul3A_80 = arith.constant 0.707106769 : f32
    %mul3A_81 = vector.broadcast %mul3A_80 : f32 to vector<13x128xf32>
    %mul3A_82 = arith.mulf %add3A_76, %mul3A_81 : vector<13x128xf32>
    %erf3A_83 = math.erf %mul3A_82 : vector<13x128xf32>
    %add3A_84 = arith.constant 1.000000e+00 : f32
    %add3A_85 = vector.broadcast %add3A_84 : f32 to vector<13x128xf32>
    %add3A_86 = arith.addf %add3A_85, %erf3A_83 : vector<13x128xf32>
    %mul3A_87 = arith.mulf %mul3A_79, %add3A_86 : vector<13x128xf32>
    %get3A_88 = arith.constant 128 : index
    %get3A_89 = arith.constant 0 : index
    %get3A_90 = vector.load %arg12[%get3A_88, %get3A_89] : memref<384x256xf32, #tpu.memory_space<vmem>>, vector<128x256xf32>
    %dot_general3A_91 = arith.constant dense<0.000000e+00> : vector<13x256xf32>
    %dot_general3A_92 = tpu.matmul %mul3A_87, %get3A_90, %dot_general3A_91 {dimension_numbers = #tpu.dot_dimension_numbers<[1], [0], [0], [1], [0, 0, 1, 1], [], []>, transpose_lhs_hint = false} : vector<13x128xf32>, vector<128x256xf32>, vector<13x256xf32> -> vector<13x256xf32>
    %get3A_93 = arith.constant 0 : index
    %get3A_94 = arith.constant 0 : index
    %get3A_95 = vector.load %arg9[%get3A_93, %get3A_94] : memref<13x128xf32, #tpu.memory_space<vmem>>, vector<13x128xf32>
    %get3A_96 = arith.constant 0 : index
    %get3A_97 = arith.constant 0 : index
    %get3A_98 = vector.load %arg10[%get3A_96, %get3A_97] : memref<1x128xf32, #tpu.memory_space<vmem>>, vector<1x128xf32>
    %get3A_99 = arith.constant 0 : index
    %get3A_100 = arith.constant 0 : index
    %get3A_101 = vector.load %arg11[%get3A_99, %get3A_100] : memref<1x128xf32, #tpu.memory_space<vmem>>, vector<1x128xf32>
    %reduce_sum3A_102 = arith.constant dense<0.000000e+00> : vector<13xf32>
    %reduce_sum3A_103 = vector.multi_reduction <add>, %get3A_95, %reduce_sum3A_102 [1] : vector<13x128xf32> to vector<13xf32>
    %broadcast_in_dim3A_104 = vector.shape_cast %reduce_sum3A_103 : vector<13xf32> to vector<13x1xf32>
    %div3A_105 = arith.constant 1.280000e+02 : f32
    %div3A_106 = vector.broadcast %div3A_105 : f32 to vector<13x1xf32>
    %div3A_107 = arith.divf %broadcast_in_dim3A_104, %div3A_106 : vector<13x1xf32>
    %sub3A_108 = vector.broadcast %div3A_107 : vector<13x1xf32> to vector<13x128xf32>
    %sub3A_109 = arith.subf %get3A_95, %sub3A_108 : vector<13x128xf32>
    %integer_pow3A_110 = arith.mulf %sub3A_109, %sub3A_109 : vector<13x128xf32>
    %reduce_sum3A_111 = arith.constant dense<0.000000e+00> : vector<13xf32>
    %reduce_sum3A_112 = vector.multi_reduction <add>, %integer_pow3A_110, %reduce_sum3A_111 [1] : vector<13x128xf32> to vector<13xf32>
    %broadcast_in_dim3A_113 = vector.shape_cast %reduce_sum3A_112 : vector<13xf32> to vector<13x1xf32>
    %div3A_114 = arith.constant 1.280000e+02 : f32
    %div3A_115 = vector.broadcast %div3A_114 : f32 to vector<13x1xf32>
    %div3A_116 = arith.divf %broadcast_in_dim3A_113, %div3A_115 : vector<13x1xf32>
    %sub3A_117 = vector.broadcast %div3A_107 : vector<13x1xf32> to vector<13x128xf32>
    %sub3A_118 = arith.subf %get3A_95, %sub3A_117 : vector<13x128xf32>
    %add3A_119 = arith.constant 9.99999974E-6 : f32
    %add3A_120 = vector.broadcast %add3A_119 : f32 to vector<13x1xf32>
    %add3A_121 = arith.addf %div3A_116, %add3A_120 : vector<13x1xf32>
    %sqrt3A_122 = math.sqrt %add3A_121 : vector<13x1xf32>
    %div3A_123 = vector.broadcast %sqrt3A_122 : vector<13x1xf32> to vector<13x128xf32>
    %div3A_124 = arith.divf %sub3A_118, %div3A_123 : vector<13x128xf32>
    %mul3A_125 = vector.broadcast %get3A_98 : vector<1x128xf32> to vector<13x128xf32>
    %mul3A_126 = arith.mulf %div3A_124, %mul3A_125 : vector<13x128xf32>
    %add3A_127 = vector.broadcast %get3A_101 : vector<1x128xf32> to vector<13x128xf32>
    %add3A_128 = arith.addf %mul3A_126, %add3A_127 : vector<13x128xf32>
    %mul3A_129 = arith.constant 5.000000e-01 : f32
    %mul3A_130 = vector.broadcast %mul3A_129 : f32 to vector<13x128xf32>
    %mul3A_131 = arith.mulf %mul3A_130, %add3A_128 : vector<13x128xf32>
    %mul3A_132 = arith.constant 0.707106769 : f32
    %mul3A_133 = vector.broadcast %mul3A_132 : f32 to vector<13x128xf32>
    %mul3A_134 = arith.mulf %add3A_128, %mul3A_133 : vector<13x128xf32>
    %erf3A_135 = math.erf %mul3A_134 : vector<13x128xf32>
    %add3A_136 = arith.constant 1.000000e+00 : f32
    %add3A_137 = vector.broadcast %add3A_136 : f32 to vector<13x128xf32>
    %add3A_138 = arith.addf %add3A_137, %erf3A_135 : vector<13x128xf32>
    %mul3A_139 = arith.mulf %mul3A_131, %add3A_138 : vector<13x128xf32>
    %get3A_140 = arith.constant 256 : index
    %get3A_141 = arith.constant 0 : index
    %get3A_142 = vector.load %arg12[%get3A_140, %get3A_141] : memref<384x256xf32, #tpu.memory_space<vmem>>, vector<128x256xf32>
    %dot_general3A_143 = arith.constant dense<0.000000e+00> : vector<13x256xf32>
    %dot_general3A_144 = tpu.matmul %mul3A_139, %get3A_142, %dot_general3A_143 {dimension_numbers = #tpu.dot_dimension_numbers<[1], [0], [0], [1], [0, 0, 1, 1], [], []>, transpose_lhs_hint = false} : vector<13x128xf32>, vector<128x256xf32>, vector<13x256xf32> -> vector<13x256xf32>
    %iota3A = tpu.iota {dimensions = array<i32: 0>} : vector<5408x32xi32>
    %iota3A_145 = tpu.iota {dimensions = array<i32: 1>} : vector<5408x32xi32>
    %jit3A = arith.constant 169 : i32
    %div3A_146 = vector.broadcast %jit3A : i32 to vector<5408x32xi32>
    %div3A_147 = arith.divsi %iota3A, %div3A_146 : vector<5408x32xi32>
    %sign3A = arith.constant 0 : i32
    %sign3A_148 = vector.broadcast %sign3A : i32 to vector<5408x32xi32>
    %sign3A_149 = arith.cmpi sgt, %iota3A, %sign3A_148 : vector<5408x32xi32>
    %sign3A_150 = arith.extui %sign3A_149 : vector<5408x32xi1> to vector<5408x32xi32>
    %sign3A_151 = arith.constant 0 : i32
    %sign3A_152 = vector.broadcast %sign3A_151 : i32 to vector<5408x32xi32>
    %sign3A_153 = arith.cmpi slt, %iota3A, %sign3A_152 : vector<5408x32xi32>
    %sign3A_154 = arith.extui %sign3A_153 : vector<5408x32xi1> to vector<5408x32xi32>
    %sign3A_155 = arith.subi %sign3A_150, %sign3A_154 : vector<5408x32xi32>
    %sign3A_156 = arith.constant 0 : i32
    %sign3A_157 = arith.cmpi sgt, %jit3A, %sign3A_156 : i32
    %sign3A_158 = arith.extui %sign3A_157 : i1 to i32
    %sign3A_159 = arith.constant 0 : i32
    %sign3A_160 = arith.cmpi slt, %jit3A, %sign3A_159 : i32
    %sign3A_161 = arith.extui %sign3A_160 : i1 to i32
    %sign3A_162 = arith.subi %sign3A_158, %sign3A_161 : i32
    %ne3A = vector.broadcast %sign3A_162 : i32 to vector<5408x32xi32>
    %ne3A_163 = arith.cmpi ne, %sign3A_155, %ne3A : vector<5408x32xi32>
    %rem3A = vector.broadcast %jit3A : i32 to vector<5408x32xi32>
    %rem3A_164 = arith.remsi %iota3A, %rem3A : vector<5408x32xi32>
    %ne3A_165 = arith.constant 0 : i32
    %ne3A_166 = vector.broadcast %ne3A_165 : i32 to vector<5408x32xi32>
    %ne3A_167 = arith.cmpi ne, %rem3A_164, %ne3A_166 : vector<5408x32xi32>
    %and3A = arith.andi %ne3A_163, %ne3A_167 : vector<5408x32xi1>
    %sub3A_168 = arith.constant 1 : i32
    %sub3A_169 = vector.broadcast %sub3A_168 : i32 to vector<5408x32xi32>
    %sub3A_170 = arith.subi %div3A_147, %sub3A_169 : vector<5408x32xi32>
    %select_n3A = arith.select %and3A, %sub3A_170, %div3A_147 : vector<5408x32xi1>, vector<5408x32xi32>
    %eq3A = arith.cmpi eq, %select_n3A, %iota3A_145 : vector<5408x32xi32>
    %convert_element_type3A = arith.extui %eq3A : vector<5408x32xi1> to vector<5408x32xi32>
    %convert_element_type3A_171 = arith.sitofp %convert_element_type3A : vector<5408x32xi32> to vector<5408x32xf32>
    %iota3A_172 = tpu.iota {dimensions = array<i32: 0>} : vector<5408x13xi32>
    %iota3A_173 = tpu.iota {dimensions = array<i32: 1>} : vector<5408x13xi32>
    %jit3A_174 = arith.constant 13 : i32
    %div3A_175 = vector.broadcast %jit3A_174 : i32 to vector<5408x13xi32>
    %div3A_176 = arith.divsi %iota3A_172, %div3A_175 : vector<5408x13xi32>
    %sign3A_177 = arith.constant 0 : i32
    %sign3A_178 = vector.broadcast %sign3A_177 : i32 to vector<5408x13xi32>
    %sign3A_179 = arith.cmpi sgt, %iota3A_172, %sign3A_178 : vector<5408x13xi32>
    %sign3A_180 = arith.extui %sign3A_179 : vector<5408x13xi1> to vector<5408x13xi32>
    %sign3A_181 = arith.constant 0 : i32
    %sign3A_182 = vector.broadcast %sign3A_181 : i32 to vector<5408x13xi32>
    %sign3A_183 = arith.cmpi slt, %iota3A_172, %sign3A_182 : vector<5408x13xi32>
    %sign3A_184 = arith.extui %sign3A_183 : vector<5408x13xi1> to vector<5408x13xi32>
    %sign3A_185 = arith.subi %sign3A_180, %sign3A_184 : vector<5408x13xi32>
    %sign3A_186 = arith.constant 0 : i32
    %sign3A_187 = arith.cmpi sgt, %jit3A_174, %sign3A_186 : i32
    %sign3A_188 = arith.extui %sign3A_187 : i1 to i32
    %sign3A_189 = arith.constant 0 : i32
    %sign3A_190 = arith.cmpi slt, %jit3A_174, %sign3A_189 : i32
    %sign3A_191 = arith.extui %sign3A_190 : i1 to i32
    %sign3A_192 = arith.subi %sign3A_188, %sign3A_191 : i32
    %ne3A_193 = vector.broadcast %sign3A_192 : i32 to vector<5408x13xi32>
    %ne3A_194 = arith.cmpi ne, %sign3A_185, %ne3A_193 : vector<5408x13xi32>
    %rem3A_195 = vector.broadcast %jit3A_174 : i32 to vector<5408x13xi32>
    %rem3A_196 = arith.remsi %iota3A_172, %rem3A_195 : vector<5408x13xi32>
    %ne3A_197 = arith.constant 0 : i32
    %ne3A_198 = vector.broadcast %ne3A_197 : i32 to vector<5408x13xi32>
    %ne3A_199 = arith.cmpi ne, %rem3A_196, %ne3A_198 : vector<5408x13xi32>
    %and3A_200 = arith.andi %ne3A_194, %ne3A_199 : vector<5408x13xi1>
    %sub3A_201 = arith.constant 1 : i32
    %sub3A_202 = vector.broadcast %sub3A_201 : i32 to vector<5408x13xi32>
    %sub3A_203 = arith.subi %div3A_176, %sub3A_202 : vector<5408x13xi32>
    %select_n3A_204 = arith.select %and3A_200, %sub3A_203, %div3A_176 : vector<5408x13xi1>, vector<5408x13xi32>
    %jit3A_205 = arith.constant 13 : i32
    %eq3A_206 = arith.constant 0 : i32
    %eq3A_207 = arith.cmpi eq, %jit3A_205, %eq3A_206 : i32
    %jit3A_208 = arith.constant 1 : i32
    %select_n3A_209 = arith.select %eq3A_207, %jit3A_208, %jit3A_205 : i32
    %rem3A_210 = vector.broadcast %select_n3A_209 : i32 to vector<5408x13xi32>
    %rem3A_211 = arith.remsi %select_n3A_204, %rem3A_210 : vector<5408x13xi32>
    %ne3A_212 = arith.constant 0 : i32
    %ne3A_213 = vector.broadcast %ne3A_212 : i32 to vector<5408x13xi32>
    %ne3A_214 = arith.cmpi ne, %rem3A_211, %ne3A_213 : vector<5408x13xi32>
    %lt3A = arith.constant 0 : i32
    %lt3A_215 = vector.broadcast %lt3A : i32 to vector<5408x13xi32>
    %lt3A_216 = arith.cmpi slt, %rem3A_211, %lt3A_215 : vector<5408x13xi32>
    %lt3A_217 = arith.constant 0 : i32
    %lt3A_218 = arith.cmpi slt, %select_n3A_209, %lt3A_217 : i32
    %ne3A_219 = vector.broadcast %lt3A_218 : i1 to vector<5408x13xi1>
    %ne3A_220 = vector.broadcast %ne3A_219 : vector<5408x13xi1> to vector<5408x13xi1>
    %ne3A_221 = arith.xori %lt3A_216, %ne3A_220 : vector<5408x13xi1>
    %and3A_222 = arith.andi %ne3A_221, %ne3A_214 : vector<5408x13xi1>
    %add3A_223 = vector.broadcast %select_n3A_209 : i32 to vector<5408x13xi32>
    %add3A_224 = arith.addi %rem3A_211, %add3A_223 : vector<5408x13xi32>
    %select_n3A_225 = arith.select %and3A_222, %add3A_224, %rem3A_211 : vector<5408x13xi1>, vector<5408x13xi32>
    %eq3A_226 = arith.cmpi eq, %select_n3A_225, %iota3A_173 : vector<5408x13xi32>
    %convert_element_type3A_227 = arith.extui %eq3A_226 : vector<5408x13xi1> to vector<5408x13xi32>
    %convert_element_type3A_228 = arith.sitofp %convert_element_type3A_227 : vector<5408x13xi32> to vector<5408x13xf32>
    %iota3A_229 = tpu.iota {dimensions = array<i32: 0>} : vector<5408x13xi32>
    %iota3A_230 = tpu.iota {dimensions = array<i32: 1>} : vector<5408x13xi32>
    %jit3A_231 = arith.constant 13 : i32
    %eq3A_232 = arith.constant 0 : i32
    %eq3A_233 = arith.cmpi eq, %jit3A_231, %eq3A_232 : i32
    %jit3A_234 = arith.constant 1 : i32
    %select_n3A_235 = arith.select %eq3A_233, %jit3A_234, %jit3A_231 : i32
    %rem3A_236 = vector.broadcast %select_n3A_235 : i32 to vector<5408x13xi32>
    %rem3A_237 = arith.remsi %iota3A_229, %rem3A_236 : vector<5408x13xi32>
    %ne3A_238 = arith.constant 0 : i32
    %ne3A_239 = vector.broadcast %ne3A_238 : i32 to vector<5408x13xi32>
    %ne3A_240 = arith.cmpi ne, %rem3A_237, %ne3A_239 : vector<5408x13xi32>
    %lt3A_241 = arith.constant 0 : i32
    %lt3A_242 = vector.broadcast %lt3A_241 : i32 to vector<5408x13xi32>
    %lt3A_243 = arith.cmpi slt, %rem3A_237, %lt3A_242 : vector<5408x13xi32>
    %lt3A_244 = arith.constant 0 : i32
    %lt3A_245 = arith.cmpi slt, %select_n3A_235, %lt3A_244 : i32
    %ne3A_246 = vector.broadcast %lt3A_245 : i1 to vector<5408x13xi1>
    %ne3A_247 = vector.broadcast %ne3A_246 : vector<5408x13xi1> to vector<5408x13xi1>
    %ne3A_248 = arith.xori %lt3A_243, %ne3A_247 : vector<5408x13xi1>
    %and3A_249 = arith.andi %ne3A_248, %ne3A_240 : vector<5408x13xi1>
    %add3A_250 = vector.broadcast %select_n3A_235 : i32 to vector<5408x13xi32>
    %add3A_251 = arith.addi %rem3A_237, %add3A_250 : vector<5408x13xi32>
    %select_n3A_252 = arith.select %and3A_249, %add3A_251, %rem3A_237 : vector<5408x13xi1>, vector<5408x13xi32>
    %eq3A_253 = arith.cmpi eq, %select_n3A_252, %iota3A_230 : vector<5408x13xi32>
    %convert_element_type3A_254 = arith.extui %eq3A_253 : vector<5408x13xi1> to vector<5408x13xi32>
    %convert_element_type3A_255 = arith.sitofp %convert_element_type3A_254 : vector<5408x13xi32> to vector<5408x13xf32>
    %dot_general3A_256 = arith.constant dense<0.000000e+00> : vector<5408x256xf32>
    %dot_general3A_257 = tpu.matmul %convert_element_type3A_171, %dot_general3A_40, %dot_general3A_256 {dimension_numbers = #tpu.dot_dimension_numbers<[1], [0], [0], [1], [0, 0, 1, 1], [], []>, transpose_lhs_hint = false} : vector<5408x32xf32>, vector<32x256xf32>, vector<5408x256xf32> -> vector<5408x256xf32>
    %dot_general3A_258 = arith.constant dense<0.000000e+00> : vector<5408x256xf32>
    %dot_general3A_259 = tpu.matmul %convert_element_type3A_228, %dot_general3A_92, %dot_general3A_258 {dimension_numbers = #tpu.dot_dimension_numbers<[1], [0], [0], [1], [0, 0, 1, 1], [], []>, transpose_lhs_hint = false} : vector<5408x13xf32>, vector<13x256xf32>, vector<5408x256xf32> -> vector<5408x256xf32>
    %add3A_260 = arith.addf %dot_general3A_257, %dot_general3A_259 : vector<5408x256xf32>
    %dot_general3A_261 = arith.constant dense<0.000000e+00> : vector<5408x256xf32>
    %dot_general3A_262 = tpu.matmul %convert_element_type3A_255, %dot_general3A_144, %dot_general3A_261 {dimension_numbers = #tpu.dot_dimension_numbers<[1], [0], [0], [1], [0, 0, 1, 1], [], []>, transpose_lhs_hint = false} : vector<5408x13xf32>, vector<13x256xf32>, vector<5408x256xf32> -> vector<5408x256xf32>
    %add3A_263 = arith.addf %add3A_260, %dot_general3A_262 : vector<5408x256xf32>
    %get3A_264 = arith.constant 0 : index
    %get3A_265 = arith.constant 0 : index
    %get3A_266 = vector.load %arg13[%get3A_264, %get3A_265] : memref<1x256xf32, #tpu.memory_space<vmem>>, vector<1x256xf32>
    %add3A_267 = vector.broadcast %get3A_266 : vector<1x256xf32> to vector<5408x256xf32>
    %add3A_268 = arith.addf %add3A_263, %add3A_267 : vector<5408x256xf32>
    %swap3A = arith.constant 0 : index
    %swap3A_269 = arith.constant 0 : index
    %swap3A_270 = vector.load %arg14[%swap3A, %swap3A_269] : memref<5408x256xf32, #tpu.memory_space<vmem>>, vector<5408x256xf32>
    tpu.vector_store %arg14[%swap3A, %swap3A_269], %add3A_268 {strides = array<i32>} : memref<5408x256xf32, #tpu.memory_space<vmem>>, vector<5408x256xf32>,
    %get3A_271 = arith.constant 0 : index
    %get3A_272 = arith.constant 0 : index
    %get3A_273 = vector.load %arg0[%get3A_271, %get3A_272] : memref<1024x169xi32, #tpu.memory_space<vmem>>, vector<1024x169xi32>
    %mul3A_274 = arith.constant 169 : i32
    %mul3A_275 = vector.broadcast %mul3A_274 : i32 to vector<1024x169xi32>
    %mul3A_276 = arith.muli %get3A_273, %mul3A_275 : vector<1024x169xi32>
    %get3A_277 = arith.constant 0 : index
    %get3A_278 = arith.constant 0 : index
    %get3A_279 = vector.load %arg1[%get3A_277, %get3A_278] : memref<1024x169xi32, #tpu.memory_space<vmem>>, vector<1024x169xi32>
    %mul3A_280 = arith.constant 13 : i32
    %mul3A_281 = vector.broadcast %mul3A_280 : i32 to vector<1024x169xi32>
    %mul3A_282 = arith.muli %get3A_279, %mul3A_281 : vector<1024x169xi32>
    %add3A_283 = arith.addi %mul3A_276, %mul3A_282 : vector<1024x169xi32>
    %get3A_284 = arith.constant 0 : index
    %get3A_285 = arith.constant 0 : index
    %get3A_286 = vector.load %arg2[%get3A_284, %get3A_285] : memref<1024x169xi32, #tpu.memory_space<vmem>>, vector<1024x169xi32>
    %add3A_287 = arith.addi %add3A_283, %get3A_286 : vector<1024x169xi32>
    %transpose3A = tpu.transpose %add3A_287, [1, 0] : vector<1024x169xi32> -> vector<169x1024xi32>
    %slice3A = vector.extract_strided_slice %transpose3A {offsets = [0, 0], sizes = [43, 1024], strides = [1, 1]} : vector<169x1024xi32> to vector<43x1024xi32>
    %swap3A_288 = arith.constant 0 : index
    %swap3A_289 = arith.constant 0 : index
    %swap3A_290 = arith.constant 0 : index
    %swap3A_291 = vector.load %arg15[%swap3A_288, %swap3A_289, %swap3A_290] : memref<4x44x1024xi32, #tpu.memory_space<vmem>>, vector<1x43x1024xi32>
    %swap3A_292 = vector.shape_cast %swap3A_291 : vector<1x43x1024xi32> to vector<43x1024xi32>
    %swap3A_293 = vector.shape_cast %slice3A : vector<43x1024xi32> to vector<1x43x1024xi32>
    tpu.vector_store %arg15[%swap3A_288, %swap3A_289, %swap3A_290], %swap3A_293 {strides = array<i32>} : memref<4x44x1024xi32, #tpu.memory_space<vmem>>, vector<1x43x1024xi32>,
    %broadcast_in_dim3A_294 = arith.constant 0 : i32
    %broadcast_in_dim3A_295 = vector.broadcast %broadcast_in_dim3A_294 : i32 to vector<1x1024xi32>
    %swap3A_296 = arith.constant 0 : index
    %swap3A_297 = arith.constant 43 : index
    %swap3A_298 = arith.constant 0 : index
    %swap3A_299 = vector.load %arg15[%swap3A_296, %swap3A_297, %swap3A_298] : memref<4x44x1024xi32, #tpu.memory_space<vmem>>, vector<1x1x1024xi32>
    %swap3A_300 = vector.shape_cast %swap3A_299 : vector<1x1x1024xi32> to vector<1x1024xi32>
    %swap3A_301 = vector.shape_cast %broadcast_in_dim3A_295 : vector<1x1024xi32> to vector<1x1x1024xi32>
    tpu.vector_store %arg15[%swap3A_296, %swap3A_297, %swap3A_298], %swap3A_301 {strides = array<i32>} : memref<4x44x1024xi32, #tpu.memory_space<vmem>>, vector<1x1x1024xi32>,
    %slice3A_302 = vector.extract_strided_slice %transpose3A {offsets = [43, 0], sizes = [42, 1024], strides = [1, 1]} : vector<169x1024xi32> to vector<42x1024xi32>
    %swap3A_303 = arith.constant 1 : index
    %swap3A_304 = arith.constant 0 : index
    %swap3A_305 = arith.constant 0 : index
    %swap3A_306 = vector.load %arg15[%swap3A_303, %swap3A_304, %swap3A_305] : memref<4x44x1024xi32, #tpu.memory_space<vmem>>, vector<1x42x1024xi32>
    %swap3A_307 = vector.shape_cast %swap3A_306 : vector<1x42x1024xi32> to vector<42x1024xi32>
    %swap3A_308 = vector.shape_cast %slice3A_302 : vector<42x1024xi32> to vector<1x42x1024xi32>
    tpu.vector_store %arg15[%swap3A_303, %swap3A_304, %swap3A_305], %swap3A_308 {strides = array<i32>} : memref<4x44x1024xi32, #tpu.memory_space<vmem>>, vector<1x42x1024xi32>,
    %broadcast_in_dim3A_309 = arith.constant 0 : i32
    %broadcast_in_dim3A_310 = vector.broadcast %broadcast_in_dim3A_309 : i32 to vector<2x1024xi32>
    %swap3A_311 = arith.constant 1 : index
    %swap3A_312 = arith.constant 42 : index
    %swap3A_313 = arith.constant 0 : index
    %swap3A_314 = vector.load %arg15[%swap3A_311, %swap3A_312, %swap3A_313] : memref<4x44x1024xi32, #tpu.memory_space<vmem>>, vector<1x2x1024xi32>
    %swap3A_315 = vector.shape_cast %swap3A_314 : vector<1x2x1024xi32> to vector<2x1024xi32>
    %swap3A_316 = vector.shape_cast %broadcast_in_dim3A_310 : vector<2x1024xi32> to vector<1x2x1024xi32>
    tpu.vector_store %arg15[%swap3A_311, %swap3A_312, %swap3A_313], %swap3A_316 {strides = array<i32>} : memref<4x44x1024xi32, #tpu.memory_space<vmem>>, vector<1x2x1024xi32>,
    %slice3A_317 = vector.extract_strided_slice %transpose3A {offsets = [85, 0], sizes = [42, 1024], strides = [1, 1]} : vector<169x1024xi32> to vector<42x1024xi32>
    %swap3A_318 = arith.constant 2 : index
    %swap3A_319 = arith.constant 0 : index
    %swap3A_320 = arith.constant 0 : index
    %swap3A_321 = vector.load %arg15[%swap3A_318, %swap3A_319, %swap3A_320] : memref<4x44x1024xi32, #tpu.memory_space<vmem>>, vector<1x42x1024xi32>
    %swap3A_322 = vector.shape_cast %swap3A_321 : vector<1x42x1024xi32> to vector<42x1024xi32>
    %swap3A_323 = vector.shape_cast %slice3A_317 : vector<42x1024xi32> to vector<1x42x1024xi32>
    tpu.vector_store %arg15[%swap3A_318, %swap3A_319, %swap3A_320], %swap3A_323 {strides = array<i32>} : memref<4x44x1024xi32, #tpu.memory_space<vmem>>, vector<1x42x1024xi32>,
    %broadcast_in_dim3A_324 = arith.constant 0 : i32
    %broadcast_in_dim3A_325 = vector.broadcast %broadcast_in_dim3A_324 : i32 to vector<2x1024xi32>
    %swap3A_326 = arith.constant 2 : index
    %swap3A_327 = arith.constant 42 : index
    %swap3A_328 = arith.constant 0 : index
    %swap3A_329 = vector.load %arg15[%swap3A_326, %swap3A_327, %swap3A_328] : memref<4x44x1024xi32, #tpu.memory_space<vmem>>, vector<1x2x1024xi32>
    %swap3A_330 = vector.shape_cast %swap3A_329 : vector<1x2x1024xi32> to vector<2x1024xi32>
    %swap3A_331 = vector.shape_cast %broadcast_in_dim3A_325 : vector<2x1024xi32> to vector<1x2x1024xi32>
    tpu.vector_store %arg15[%swap3A_326, %swap3A_327, %swap3A_328], %swap3A_331 {strides = array<i32>} : memref<4x44x1024xi32, #tpu.memory_space<vmem>>, vector<1x2x1024xi32>,
    %slice3A_332 = vector.extract_strided_slice %transpose3A {offsets = [127, 0], sizes = [42, 1024], strides = [1, 1]} : vector<169x1024xi32> to vector<42x1024xi32>
    %swap3A_333 = arith.constant 3 : index
    %swap3A_334 = arith.constant 0 : index
    %swap3A_335 = arith.constant 0 : index
    %swap3A_336 = vector.load %arg15[%swap3A_333, %swap3A_334, %swap3A_335] : memref<4x44x1024xi32, #tpu.memory_space<vmem>>, vector<1x42x1024xi32>
    %swap3A_337 = vector.shape_cast %swap3A_336 : vector<1x42x1024xi32> to vector<42x1024xi32>
    %swap3A_338 = vector.shape_cast %slice3A_332 : vector<42x1024xi32> to vector<1x42x1024xi32>
    tpu.vector_store %arg15[%swap3A_333, %swap3A_334, %swap3A_335], %swap3A_338 {strides = array<i32>} : memref<4x44x1024xi32, #tpu.memory_space<vmem>>, vector<1x42x1024xi32>,
    %broadcast_in_dim3A_339 = arith.constant 0 : i32
    %broadcast_in_dim3A_340 = vector.broadcast %broadcast_in_dim3A_339 : i32 to vector<2x1024xi32>
    %swap3A_341 = arith.constant 3 : index
    %swap3A_342 = arith.constant 42 : index
    %swap3A_343 = arith.constant 0 : index
    %swap3A_344 = vector.load %arg15[%swap3A_341, %swap3A_342, %swap3A_343] : memref<4x44x1024xi32, #tpu.memory_space<vmem>>, vector<1x2x1024xi32>
    %swap3A_345 = vector.shape_cast %swap3A_344 : vector<1x2x1024xi32> to vector<2x1024xi32>
    %swap3A_346 = vector.shape_cast %broadcast_in_dim3A_340 : vector<2x1024xi32> to vector<1x2x1024xi32>
    tpu.vector_store %arg15[%swap3A_341, %swap3A_342, %swap3A_343], %swap3A_346 {strides = array<i32>} : memref<4x44x1024xi32, #tpu.memory_space<vmem>>, vector<1x2x1024xi32>,
    return
  }
}

</mosaic_0001>

<sc_bundles>
// kernel: kernel.4.cloned.1.call-start
scs
__scs_entry_jumppad:
0x0: {  	(pc) =	sbr.rel $0x88, $3  }
0x1: {  	(tag) =	ssettag $0x0;
	lr =	simm.s32 $0x1  }
0x2: {  	[smem:$0x3F93] =	sst lr;
	_ =	strace $0xD0000000  }
0x3: {  	_ = 	snop  }
0x4: {  	_ = 	snop  }
0x5: {  	_ = 	snop  }
0x6: {  	_ = 	snop  }
0x7: {  	_ = 	snop  }
__scs_overlays_trampoline_lowered:
0x8: {  	[smem:$0x3FA2] =	sst s0  }
0x9: {  	[smem:$0x3FA3] =	sst s1  }
0xa: {  	[smem:$0x3FA4] =	sst s2  }
0xb: {  	[smem:$0x3FA5] =	sst s3  }
0xc: {  	[smem:$0x3FA6] =	sst s4  }
0xd: {  	[smem:$0x3FA7] =	sst s5  }
0xe: {  	[smem:$0x3FA8] =	sst s6  }
0xf: {  	[smem:$0x3FA9] =	sst s7  }
0x10: {  	[smem:$0x3FAA] =	sst s8  }
0x11: {  	[smem:$0x3FAB] =	sst s9;
	s0 =	simm.s32 @!p0 $0x0  }
0x12: {  	s1 =	sld [smem:$0x3F91];
	s0 =	simm.s32 @p0 $0x1  }
0x13: {  	[smem:$0x3FAC] =	sst s0;
	s0 =	simm.s32 @!p1 $0x0  }
0x14: {  	s2 =	sld [smem:$0x3F90];
	s0 =	simm.s32 @p1 $0x1  }
0x15: {  	[smem:$0x3FAD] =	sst s0;
	s0 =	simm.s32 @!p2 $0x0  }
0x16: {  	s3 =	sld [smem:$0x3FDB];
	s0 =	simm.s32 @p2 $0x1  }
0x17: {  	s4 =	simm.s32 $0x1BF5;
	[smem:$0x3FAF] =	sst s0  }
0x18: {  	s0 =	sld [smem:$0x3F92];
	_ =	swait.ge [sflag:s4], $0x0  }
0x19: {  	s7 =	sld [smem:$0x3F93]  }
0x1a: {  	s8 =	sadd.s32 $0xFFFFE003, lr  }
0x1b: {  	s9 =	sadd.s32 $0xFFFFFEF7, lr;
	s5 =	simm.s32 $0xFFFFFFFF;
	p2 =	slt.u32 s8, $0xFFFFF086  }
0x1c: {  	p1 =	slt.u32 s9, $0xF7A;
	s5 =	simm.s32 @!p2 $0x0  }
0x1d: {  	s5 =	simm.s32 @p1 $0x1;
	p0 =	seq.s32 s7, s2  }
0x1e: {  	s7 =	smul.u32 @!p0 $0xF7A, s2;
	p2 =	seq.s32 @!p0 s5, $0x0  }
0x1f: {  	s9 =	smul.u32 $0xF7A, s1;
	s8 =	simm.s32 @!p0 $0x1BF5;
	p2 =	por !p2, p0  }
0x20: {  	[sflag:s8] =	ssyncset.s32 @!p0 $0xFFFFF086;
	s6 =	sadd.s32 @!p0 s3, s7;
	s7 =	simm.s32 @!p0 $0x108  }
0x21: {  	s3 =	sadd.s32 s3, s9;
	s6 =	sadd.s32 @!p0 $0x88, s6;
	s7 =	simm.s32 @p2 $0x1082  }
0x22: {  	[simem:s7], [sflag:s8] =	dma.local @!p0 [hbm:s6], $0xF7A  }
0x23: {  	s9 =	sor.u32 $0xD0000000, s2;
	s6 =	simm.s32 $0x108;
	_ =	swait.ge @!p0 [sflag:s8], $0x0  }
0x24: {  	s3 =	sadd.s32 $0x88, s3;
	s6 =	simm.s32 @!p1 $0x1082;
	[sflag:s4] =	ssyncset.s32 $0xFFFFF086  }
0x25: {  	[simem:s6], [sflag:s4] =	dma.local [hbm:s3], $0xF7A  }
0x26: {  	[smem:$0x3F93] =	sst s1;
	(tag) =	ssettag s2;
	_ =	strace s9  }
0x27: {  	s1 =	sld [smem:$0x3FA3]  }
0x28: {  	s2 =	sld [smem:$0x3FA4]  }
0x29: {  	s4 =	sld [smem:$0x3FA6]  }
0x2a: {  	p0 =	seq.s32 s5, $0x0;
	s5 =	sld [smem:$0x3FA7]  }
0x2b: {  	s6 =	sld [smem:$0x3FA8]  }
0x2c: {  	s7 =	sld [smem:$0x3FA9]  }
0x2d: {  	s3 =	simm.s32 $0x108;
	s8 =	sld [smem:$0x3FAA]  }
0x2e: {  	s3 =	simm.s32 @!p0 $0x1082;
	s9 =	sld [smem:$0x3FAB]  }
0x2f: {  	lr =	sadd.s32 s0, s3;
	s0 =	sld [smem:$0x3FA2]  }
0x30: {  	s3 =	sld [smem:$0x3FA5]  }
0x31: {  	[smem:$0x3FAE] =	sst s10  }
0x32: {  	s10 =	sld [smem:$0x3FAC];
	_ =	sdelay $0x3  }
0x33: {  	p0 =	seq.s32 s10, $0x1;
	s10 =	sld [smem:$0x3FAE];
	_ =	sdelay $0x3  }
0x34: {  	[smem:$0x3FAE] =	sst s10  }
0x35: {  	s10 =	sld [smem:$0x3FAD];
	_ =	sdelay $0x3  }
0x36: {  	p1 =	seq.s32 s10, $0x1;
	s10 =	sld [smem:$0x3FAE];
	_ =	sdelay $0x3  }
0x37: {  	[smem:$0x3FAE] =	sst s10  }
0x38: {  	s10 =	sld [smem:$0x3FAF]  }
0x39: {  	_ = 	snop;
	(pc) =	sbr.ind lr, $3  }
0x3a: {  	_ = 	snop  }
0x3b: {  	_ = 	snop  }
0x3c: {  	p2 =	seq.s32 s10, $0x1;
	s10 =	sld [smem:$0x3FAE]  }
0x3d: {  	_ =	shalt  }
0x3e: {  	_ =	shalt  }
0x3f: {  	_ =	shalt  }
0x40: {  	_ =	shalt  }
0x41: {  	_ =	shalt  }
0x42: {  	_ =	shalt  }
0x43: {  	_ =	shalt  }
0x44: {  	_ =	shalt  }
0x45: {  	_ =	shalt  }
0x46: {  	_ =	shalt  }
0x47: {  	_ =	shalt  }
0x48: {  	_ =	shalt  }
0x49: {  	_ =	shalt  }
0x4a: {  	_ =	shalt  }
0x4b: {  	_ =	shalt  }
0x4c: {  	_ =	shalt  }
0x4d: {  	_ =	shalt  }
0x4e: {  	_ =	shalt  }
0x4f: {  	_ =	shalt  }
0x50: {  	_ =	shalt  }
0x51: {  	_ =	shalt  }
0x52: {  	_ =	shalt  }
0x53: {  	_ =	shalt  }
0x54: {  	_ =	shalt  }
0x55: {  	_ =	shalt  }
0x56: {  	_ =	shalt  }
0x57: {  	_ =	shalt  }
0x58: {  	_ =	shalt  }
0x59: {  	_ =	shalt  }
0x5a: {  	_ =	shalt  }
0x5b: {  	_ =	shalt  }
0x5c: {  	_ =	shalt  }
0x5d: {  	_ =	shalt  }
0x5e: {  	_ =	shalt  }
0x5f: {  	_ =	shalt  }
0x60: {  	_ =	shalt  }
0x61: {  	_ =	shalt  }
0x62: {  	_ =	shalt  }
0x63: {  	_ =	shalt  }
0x64: {  	_ =	shalt  }
0x65: {  	_ =	shalt  }
0x66: {  	_ =	shalt  }
0x67: {  	_ =	shalt  }
0x68: {  	_ =	shalt  }
0x69: {  	_ =	shalt  }
0x6a: {  	_ =	shalt  }
0x6b: {  	_ =	shalt  }
0x6c: {  	_ =	shalt  }
0x6d: {  	_ =	shalt  }
0x6e: {  	_ =	shalt  }
0x6f: {  	_ =	shalt  }
0x70: {  	_ =	shalt  }
0x71: {  	_ =	shalt  }
0x72: {  	_ =	shalt  }
0x73: {  	_ =	shalt  }
0x74: {  	_ =	shalt  }
0x75: {  	_ =	shalt  }
0x76: {  	_ =	shalt  }
0x77: {  	_ =	shalt  }
0x78: {  	_ =	shalt  }
0x79: {  	_ =	shalt  }
0x7a: {  	_ =	shalt  }
0x7b: {  	_ =	shalt  }
0x7c: {  	_ =	shalt  }
0x7d: {  	_ =	shalt  }
0x7e: {  	_ =	shalt  }
0x7f: {  	_ =	shalt  }
0x80: {  	_ =	shalt  }
0x81: {  	_ =	shalt  }
0x82: {  	_ =	shalt  }
0x83: {  	_ =	shalt  }
0x84: {  	_ =	shalt  }
0x85: {  	_ =	shalt  }
0x86: {  	_ =	shalt  }
0x87: {  	_ =	shalt  }
.Lfunc_end0:
.L_simem_size_0:
called_computation_lowered:
.L_overlay_start_0:
0x88: {  	s2 =	sld [smem:$0x3FD9]  }
0x89: {  	s3 =	sld [smem:$0x3FFE];
	_ =	sdelay $0x1  }
0x8a: {  	s1 =	srdreg.scid  }
0x8b: {  	s0 =	sand.u32 $0x1, s1  }
0x8c: {  	s17 =	sshll.u32 s0, $0xA;
	s2 =	sadd.s32 s3, s2  }
0x8d: {  	s2 =	sadd.s32 s2, s17  }
0x8e: {  	[smem:$0x3FBA] =	sst s2  }
0x8f: {  	_ = 	snop  }
0x90: {  	s2 =	sld [smem:$0x3FD0];
	(tm) =	ssettm $0x1  }
0x91: {  	s18 =	sld [smem:$0x3FFB];
	_ =	sdelay $0x3  }
0x92: {  	_ =	strace s18  }
0x93: {  	s3 =	sld [smem:$0x3FFC];
	_ =	sdelay $0x3  }
0x94: {  	_ =	strace s3  }
0x95: {  	s3 =	sld [smem:$0x3FFD];
	_ =	sdelay $0x3  }
0x96: {  	_ =	strace s3  }
0x97: {  	_ =	strace $0x8FFFFFFF  }
0x98: {  	s19 =	sld [smem:$0x3FDB];
	_ =	sdelay $0x1  }
0x99: {  	s4 =	simm.s32 $_scs_section_size  }
0x9a: {  	s5 =	simm.s32 $_size__tile_overlayer_lowered;
	s6 =	simm.s32 $_tile_overlayer_lowered  }
0x9b: {  	s22 =	simm.s32 $0x1BFF;
	s21 =	sshll.u32 s6, $0x1;
	s3 =	sadd.s32 s4, s19  }
0x9c: {  	s7 =	simm.s32 $0x0;
	s20 =	sshll.u32 s5, $0x1;
	s5 =	sadd.s32 s21, s3  }
0x9d: {  	[timem:s7], [sflag:s22] =	dma.local [hbm:s5], s20  }
0x9e: {  	_ =	swait.ge [sflag:s22], s20  }
0x9f: {  	s4 =	ssub.s32 $0x0, s20;
	[sflag:s22] =	ssyncset.done $0x0  }
0xa0: {  	[sflag:s22] =	ssyncadd.s32 s4;
	_ =	sdelay $0x1  }
0xa1: {  	s23 =	simm.s32 $0x1B8B  }
0xa2: {  	_ =	swait.ge [sflag:s23], $0x1  }
0xa3: {  	[sflag:s23] =	ssyncset.done $0x0  }
0xa4: {  	s25 =	simm.s32 $0x1B8E;
	s24 =	sld [smem:$0x3FFE];
	[sflag:s23] =	ssyncadd.s32 $0xFFFFFFFF  }
0xa5: {  	s26 =	simm.s32 $execute0_lowered;
	[smem:$0x3FD2] =	sst s25  }
0xa6: {  	s5 =	sshll.u32 s26, $0x1;
	_ =	strace $0x80000046;
	[dreg:$0x1] =	wrdreg $0xFFFFFFFF  }
0xa7: {  	s28 =	simm.s32 $_size_execute0_lowered;
	s3 =	sadd.s32 s3, s5;
	[dreg:$0x0] =	wrdreg $0x0  }
0xa8: {  	s5 =	sshll.u32 s28, $0x1;
	[dreg:$0x2] =	wrdreg s3  }
0xa9: {  	[dreg:$0x3] =	wrdreg s5  }
0xaa: {  	[dreg:$0x4] =	wrdreg $0xC0  }
0xab: {  	_ =	task [dreg:s7], $0x5FFFF  }
0xac: {  	[dreg:$0x1] =	wrdreg $0xFFFFFFFF  }
0xad: {  	[dreg:$0x0] =	wrdreg $0x60  }
0xae: {  	[dreg:$0x2] =	wrdreg s24  }
0xaf: {  	[dreg:$0x3] =	wrdreg s2  }
0xb0: {  	[dreg:$0x4] =	wrdreg $0x9  }
0xb1: {  	_ =	task.clear_ibuf [dreg:s7], $0x5FFFF;
	_ =	strace $0x90000046  }
0xb2: {  	s29 =	simm.s32 $0x9;
	_ =	strace $0x80000048  }
0xb3: {  	_ =	swait.ge [sflag:s29], $0x1  }
0xb4: {  	[sflag:s29] =	ssyncadd.s32 $0xFFFFFFFF  }
0xb5: {  	_ =	strace $0x90000048  }
0xb6: {  	_ =	sfence  }
0xb7: {  	s30 =	sld [smem:$0x0];
	_ =	sdelay $0x2  }
0xb8: {  	s31 =	sshll.u32 s1, $0xD;
	s1 =	sshrl.u32 s1, $0x2  }
0xb9: {  	s3 =	sand.u32 $0x4000, s31;
	s1 =	sadd.s32 s1, s30  }
0xba: {  	s0 =	sor.u32 s3, s0;
	s1 =	sshll.u32 s1, $0x11  }
0xbb: {  	s0 =	sor.u32 s1, s0  }
0xbc: {  	s0 =	sadd.s32 $0x8F2B, s0  }
0xbd: {  	[sflag:s0] =	ssyncadd.remote.s32 $0x1  }
0xbe: {  	_ =	sfence.sel $0xFFFF  }
0xbf: {  	[dreg:$0x0] =	wrdreg $0xFFFFFFFF;
	(pc) =	sbr.abs _section_cstart, $3  }
0xc0: {  	[dreg:$0x1] =	wrdreg $0xFFFFFFFF  }
0xc1: {  	_ =	task.clear_ibuf [dreg:s7], $0x2FFFF;
	_ =	strace $0x9FFFFFFF  }
0xc2: {  	(tm) =	ssettm $0x7FFFFFFF  }
0xc3: {  	_ =	shalt  }
tec
execute0_lowered:
.L_overlay_start_1:
0x0: {  	(tag) =	ssettag $0x1  }
0x1: {  	s0 =	rddreg [dreg:$0x0]  }
0x2: {  	s1 =	rddreg [dreg:$0x1];
	s2 =	simm.s32 $0x0;
	s11 =	stileid.u32  }
0x3: {  	s5 =	srdreg.scid;
	s12 =	simm.s32 $0xF000;
	s13 =	simm.s32 $0xF800  }
0x4: {  	s14 =	simm.s32 $0x10000;
	s15 =	simm.s32 $0x10800;
	s16 =	simm.s32 $0x11000  }
0x5: {  	s17 =	simm.s32 $0x11800;
	s18 =	simm.s32 $0x12000;
	s28 =	simm.s32 $0x16800  }
0x6: {  	s29 =	simm.s32 $0x17000;
	s30 =	simm.s32 $0x17800;
	s31 =	simm.s32 $0x18000  }
0x7: {  	[smem:$0x7FF] =	sst s2;
	s4 =	sshrl.u32 s11, $0x2;
	s5 =	sand.u32 $0x1, s5  }
0x8: {  	s19 =	sshll.u32 s11, $0x1;
	s23 =	sand.u32 $0x3, s11;
	s3 =	smul.u32 $0x1800, s4  }
0x9: {  	_ =	strace $0x80000047;
	s7 =	ssub.s32 $0x2, s5;
	s9 =	sand.u32 $0x6, s19  }
0xa: {  	s10 =	smul.u32 $0x2A, s4;
	p0 =	seq.s32 s4, $0x0;
	s4 =	simm.s32 $0x2B  }
0xb: {  	s25 =	sshll.u32 s23, $0xD;
	s19 =	simm.s32 $0x12800;
	s23 =	simm.s32 $0x14800  }
0xc: {  	s8 =	sshrl.u32 s7, $0x1;
	s21 =	sor.u32 s5, s9;
	s4 =	simm.s32 @!p0 $0x2A  }
0xd: {  	s5 =	sshll.u32 s5, $0xC;
	s6 =	sadd.s32 s3, s0;
	s3 =	sadd.s32 $0x2000, s0  }
0xe: {  	s20 =	ssub.s32 s7, s8;
	s8 =	sor.u32 $0x1, s10;
	s7 =	sshll.u32 s21, $0x7  }
0xf: {  	s10 =	simm.s32 $0x2000;
	s21 =	simm.s32 $0x13800;
	s8 =	simm.s32 @p0 $0x0  }
0x10: {  	s6 =	sadd.s32 s7, s6;
	s0 =	smax.u32 s20, $0x1;
	s20 =	simm.s32 $0x13000  }
0x11: {  	s22 =	sshll.u32 s8, $0xF;
	s24 =	sadd.s32 $0x2C400, s6;
	[dreg:$0x5] =	wrdreg s0  }
.Ltmp0:
0x12: {  	s6 =	sadd.s32 $0x2D800, s6;
	[dreg:$0x3] =	wrdreg s24;
	(pc) =	sbr.rel .LBB2_1-.Ltmp0, $4  }
0x13: {  	s0 =	simm.s32 $0x18800;
	s1 =	sadd.s32 s22, s1;
	[dreg:$0x4] =	wrdreg s6  }
0x14: {  	v2 =	vlaneseq.u32;
	s22 =	simm.s32 $0x14000;
	s24 =	simm.s32 $0x15000;
	s1 =	sadd.s32 s25, s1  }
0x15: {  	vm0 =	vmmov $0xffff;
	v1 =	vshrl.u32 v2, $0x3;
	s6 =	simm.s32 $0x0;
	s25 =	simm.s32 $0x15800;
	s26 =	sadd.s32 s5, s1  }
0x16: {  	v0 =	vand.u32 $0x7, v2;
	v2 =	vor.u32 $0x8, v2;
	v1 =	vmul.u32 $0x8, v1;
	s1 =	simm.s32 $0x19000;
	[dreg:$0x6] =	wrdreg s26;
	s26 =	simm.s32 $0x16000  }
.LBB2_9:
0x17: {  	s6 =	rddreg [dreg:$0x7]  }
0x18: {  	s5 =	rddreg [dreg:$0x5];
	s6 =	sadd.s32 $0x1, s6  }
0x19: {  	p0 =	sne.s32 s6, s5  }
.Ltmp1:
0x1a: {  	_ = 	snop;
	(pc) =	sbr.rel @!p0 .LBB2_10-.Ltmp1, $1  }
0x1b: {  	_ =	sdelay $0x3  }
.LBB2_1:
0x1c: {  	[dreg:$0x7] =	wrdreg s6  }
0x1d: {  	s5 =	rddreg [dreg:$0x3];
	s11 =	simm.s32 $0x400  }
0x1e: {  	[tilespmem:s2], [sflag:$0x7] =	stream.strided.gather [hbm4b:s5+s11], $0x1400, s10, s11, $0x38;
	[tilespmem:$0x19800] =	vst v63  }
0x1f: {  	s7 =	rddreg [dreg:$0x4];
	s8 =	simm.s32 $0x1400;
	s9 =	simm.s32 $0x7  }
0x20: {  	[tilespmem:s8], [sflag:$0x7] =	stream.linear.gather [hbm4b:s7+s2], $0x200, $0x38;
	[tilespmem:$0x19800] =	vst v63  }
0x21: {  	_ =	swait.ge [sflag:s9], $0x1600  }
0x22: {  	[sflag:s9] =	ssyncset.done $0x0  }
0x23: {  	[sflag:s9] =	ssyncadd.s32 $0xFFFFEA00  }
0x24: {  	v3 =	vld [tilespmem:$0x0];
	_ =	sdelay $0x4  }
0x25: {  	v4 =	vshll.u32 v3, $0x1  }
0x26: {  	v3 =	vand.u32 $0x7, v3;
	v4 =	vand.u32 $0xFFFFFFF0, v4  }
0x27: {  	v3 =	vor.u32 v3, v4  }
0x28: {  	v4 =	vperm.xlane v3, v0;
	_ =	sdelay $0x1  }
0x29: {  	v3 =	vperm.xlane v3, v2;
	v4 =	vadd.s32 v1, v4;
	_ =	sdelay $0x1  }
0x2a: {  	v3 =	vadd.s32 v1, v3;
	_ =	sdelay $0x1  }
0x2b: {  	s11 =	simm.s32 $0x1800  }
0x2c: {  	[tilespmem:s11], [sflag:$0x1] =	stream.indirect_vreg.gather [hbm4b:s3+s2], $0x80, v4, vm0, $0xb8;
	[tilespmem:$0x19800] =	vst v63  }
0x2d: {  	_ = 	snop  }
0x2e: {  	[tilespmem:s10], [sflag:$0x1] =	stream.indirect_vreg.gather [hbm4b:s3+s2], $0x80, v3, vm0, $0xb8;
	[tilespmem:$0x19800] =	vst v63  }
0x2f: {  	v3 =	vld [tilespmem:$0x10];
	_ =	sdelay $0x4  }
0x30: {  	v41 =	vshll.u32 v3, $0x1  }
0x31: {  	v3 =	vand.u32 $0x7, v3;
	v4 =	vand.u32 $0xFFFFFFF0, v41  }
0x32: {  	v3 =	vor.u32 v3, v4  }
0x33: {  	v4 =	vperm.xlane v3, v0;
	_ =	sdelay $0x1  }
0x34: {  	v3 =	vperm.xlane v3, v2;
	v4 =	vadd.s32 v1, v4;
	_ =	sdelay $0x1  }
0x35: {  	v3 =	vadd.s32 v1, v3;
	_ =	sdelay $0x1  }
0x36: {  	s6 =	simm.s32 $0x2800  }
0x37: {  	[tilespmem:s6], [sflag:$0x1] =	stream.indirect_vreg.gather [hbm4b:s3+s2], $0x80, v4, vm0, $0xb8;
	[tilespmem:$0x19800] =	vst v63  }
0x38: {  	s7 =	simm.s32 $0x3000  }
0x39: {  	[tilespmem:s7], [sflag:$0x1] =	stream.indirect_vreg.gather [hbm4b:s3+s2], $0x80, v3, vm0, $0xb8;
	[tilespmem:$0x19800] =	vst v63  }
0x3a: {  	v3 =	vld [tilespmem:$0x20];
	_ =	sdelay $0x4  }
0x3b: {  	v42 =	vshll.u32 v3, $0x1  }
0x3c: {  	v3 =	vand.u32 $0x7, v3;
	v4 =	vand.u32 $0xFFFFFFF0, v42  }
0x3d: {  	v3 =	vor.u32 v3, v4  }
0x3e: {  	v4 =	vperm.xlane v3, v0;
	_ =	sdelay $0x1  }
0x3f: {  	v3 =	vperm.xlane v3, v2;
	v4 =	vadd.s32 v1, v4;
	_ =	sdelay $0x1  }
0x40: {  	v3 =	vadd.s32 v1, v3;
	_ =	sdelay $0x1  }
0x41: {  	s8 =	simm.s32 $0x3800  }
0x42: {  	[tilespmem:s8], [sflag:$0x1] =	stream.indirect_vreg.gather [hbm4b:s3+s2], $0x80, v4, vm0, $0xb8;
	[tilespmem:$0x19800] =	vst v63  }
0x43: {  	s9 =	simm.s32 $0x4000  }
0x44: {  	[tilespmem:s9], [sflag:$0x1] =	stream.indirect_vreg.gather [hbm4b:s3+s2], $0x80, v3, vm0, $0xb8;
	[tilespmem:$0x19800] =	vst v63  }
0x45: {  	v3 =	vld [tilespmem:$0x30];
	_ =	sdelay $0x4  }
0x46: {  	v43 =	vshll.u32 v3, $0x1  }
0x47: {  	v3 =	vand.u32 $0x7, v3;
	v4 =	vand.u32 $0xFFFFFFF0, v43  }
0x48: {  	v3 =	vor.u32 v3, v4  }
0x49: {  	v4 =	vperm.xlane v3, v0;
	_ =	sdelay $0x1  }
0x4a: {  	v3 =	vperm.xlane v3, v2;
	v4 =	vadd.s32 v1, v4;
	_ =	sdelay $0x1  }
0x4b: {  	v3 =	vadd.s32 v1, v3;
	_ =	sdelay $0x1  }
0x4c: {  	s11 =	simm.s32 $0x4800  }
0x4d: {  	[tilespmem:s11], [sflag:$0x1] =	stream.indirect_vreg.gather [hbm4b:s3+s2], $0x80, v4, vm0, $0xb8;
	[tilespmem:$0x19800] =	vst v63  }
0x4e: {  	s6 =	simm.s32 $0x5000  }
0x4f: {  	[tilespmem:s6], [sflag:$0x1] =	stream.indirect_vreg.gather [hbm4b:s3+s2], $0x80, v3, vm0, $0xb8;
	[tilespmem:$0x19800] =	vst v63  }
0x50: {  	v3 =	vld [tilespmem:$0x40];
	_ =	sdelay $0x4  }
0x51: {  	v44 =	vshll.u32 v3, $0x1  }
0x52: {  	v3 =	vand.u32 $0x7, v3;
	v4 =	vand.u32 $0xFFFFFFF0, v44  }
0x53: {  	v3 =	vor.u32 v3, v4  }
0x54: {  	v4 =	vperm.xlane v3, v0;
	_ =	sdelay $0x1  }
0x55: {  	v3 =	vperm.xlane v3, v2;
	v4 =	vadd.s32 v1, v4;
	_ =	sdelay $0x1  }
0x56: {  	v3 =	vadd.s32 v1, v3;
	_ =	sdelay $0x1  }
0x57: {  	s7 =	simm.s32 $0x5800  }
0x58: {  	[tilespmem:s7], [sflag:$0x1] =	stream.indirect_vreg.gather [hbm4b:s3+s2], $0x80, v4, vm0, $0xb8;
	[tilespmem:$0x19800] =	vst v63  }
0x59: {  	s8 =	simm.s32 $0x6000  }
0x5a: {  	[tilespmem:s8], [sflag:$0x1] =	stream.indirect_vreg.gather [hbm4b:s3+s2], $0x80, v3, vm0, $0xb8;
	[tilespmem:$0x19800] =	vst v63  }
0x5b: {  	v3 =	vld [tilespmem:$0x50];
	_ =	sdelay $0x4  }
0x5c: {  	v45 =	vshll.u32 v3, $0x1  }
0x5d: {  	v3 =	vand.u32 $0x7, v3;
	v4 =	vand.u32 $0xFFFFFFF0, v45  }
0x5e: {  	v3 =	vor.u32 v3, v4  }
0x5f: {  	v4 =	vperm.xlane v3, v0;
	_ =	sdelay $0x1  }
0x60: {  	v3 =	vperm.xlane v3, v2;
	v4 =	vadd.s32 v1, v4;
	_ =	sdelay $0x1  }
0x61: {  	v3 =	vadd.s32 v1, v3;
	_ =	sdelay $0x1  }
0x62: {  	s9 =	simm.s32 $0x6800  }
0x63: {  	[tilespmem:s9], [sflag:$0x1] =	stream.indirect_vreg.gather [hbm4b:s3+s2], $0x80, v4, vm0, $0xb8;
	[tilespmem:$0x19800] =	vst v63  }
0x64: {  	s11 =	simm.s32 $0x7000  }
0x65: {  	[tilespmem:s11], [sflag:$0x1] =	stream.indirect_vreg.gather [hbm4b:s3+s2], $0x80, v3, vm0, $0xb8;
	[tilespmem:$0x19800] =	vst v63  }
0x66: {  	v3 =	vld [tilespmem:$0x60];
	_ =	sdelay $0x4  }
0x67: {  	v46 =	vshll.u32 v3, $0x1  }
0x68: {  	v3 =	vand.u32 $0x7, v3;
	v4 =	vand.u32 $0xFFFFFFF0, v46  }
0x69: {  	v3 =	vor.u32 v3, v4  }
0x6a: {  	v4 =	vperm.xlane v3, v0;
	_ =	sdelay $0x1  }
0x6b: {  	v3 =	vperm.xlane v3, v2;
	v4 =	vadd.s32 v1, v4;
	_ =	sdelay $0x1  }
0x6c: {  	v3 =	vadd.s32 v1, v3;
	_ =	sdelay $0x1  }
0x6d: {  	s6 =	simm.s32 $0x7800  }
0x6e: {  	[tilespmem:s6], [sflag:$0x1] =	stream.indirect_vreg.gather [hbm4b:s3+s2], $0x80, v4, vm0, $0xb8;
	[tilespmem:$0x19800] =	vst v63  }
0x6f: {  	s7 =	simm.s32 $0x8000  }
0x70: {  	[tilespmem:s7], [sflag:$0x1] =	stream.indirect_vreg.gather [hbm4b:s3+s2], $0x80, v3, vm0, $0xb8;
	[tilespmem:$0x19800] =	vst v63  }
0x71: {  	v3 =	vld [tilespmem:$0x70];
	_ =	sdelay $0x4  }
0x72: {  	v47 =	vshll.u32 v3, $0x1  }
0x73: {  	v3 =	vand.u32 $0x7, v3;
	v4 =	vand.u32 $0xFFFFFFF0, v47  }
0x74: {  	v3 =	vor.u32 v3, v4  }
0x75: {  	v4 =	vperm.xlane v3, v0;
	_ =	sdelay $0x1  }
0x76: {  	v3 =	vperm.xlane v3, v2;
	v4 =	vadd.s32 v1, v4;
	_ =	sdelay $0x1  }
0x77: {  	v3 =	vadd.s32 v1, v3;
	_ =	sdelay $0x1  }
0x78: {  	s8 =	simm.s32 $0x8800  }
0x79: {  	[tilespmem:s8], [sflag:$0x1] =	stream.indirect_vreg.gather [hbm4b:s3+s2], $0x80, v4, vm0, $0xb8;
	[tilespmem:$0x19800] =	vst v63  }
0x7a: {  	s9 =	simm.s32 $0x9000  }
0x7b: {  	[tilespmem:s9], [sflag:$0x1] =	stream.indirect_vreg.gather [hbm4b:s3+s2], $0x80, v3, vm0, $0xb8;
	[tilespmem:$0x19800] =	vst v63  }
0x7c: {  	v3 =	vld [tilespmem:$0x80];
	_ =	sdelay $0x4  }
0x7d: {  	v48 =	vshll.u32 v3, $0x1  }
0x7e: {  	v3 =	vand.u32 $0x7, v3;
	v4 =	vand.u32 $0xFFFFFFF0, v48  }
0x7f: {  	v3 =	vor.u32 v3, v4  }
0x80: {  	v4 =	vperm.xlane v3, v0;
	_ =	sdelay $0x1  }
0x81: {  	v3 =	vperm.xlane v3, v2;
	v4 =	vadd.s32 v1, v4;
	_ =	sdelay $0x1  }
0x82: {  	v3 =	vadd.s32 v1, v3;
	_ =	sdelay $0x1  }
0x83: {  	s11 =	simm.s32 $0x9800  }
0x84: {  	[tilespmem:s11], [sflag:$0x2] =	stream.indirect_vreg.gather [hbm4b:s3+s2], $0x80, v4, vm0, $0xb8;
	[tilespmem:$0x19800] =	vst v63  }
0x85: {  	s6 =	simm.s32 $0xA000  }
0x86: {  	[tilespmem:s6], [sflag:$0x2] =	stream.indirect_vreg.gather [hbm4b:s3+s2], $0x80, v3, vm0, $0xb8;
	[tilespmem:$0x19800] =	vst v63  }
0x87: {  	v3 =	vld [tilespmem:$0x90];
	_ =	sdelay $0x4  }
0x88: {  	v49 =	vshll.u32 v3, $0x1  }
0x89: {  	v3 =	vand.u32 $0x7, v3;
	v4 =	vand.u32 $0xFFFFFFF0, v49  }
0x8a: {  	v3 =	vor.u32 v3, v4  }
0x8b: {  	v4 =	vperm.xlane v3, v0;
	_ =	sdelay $0x1  }
0x8c: {  	v3 =	vperm.xlane v3, v2;
	v4 =	vadd.s32 v1, v4;
	_ =	sdelay $0x1  }
0x8d: {  	v3 =	vadd.s32 v1, v3;
	_ =	sdelay $0x1  }
0x8e: {  	s7 =	simm.s32 $0xA800  }
0x8f: {  	[tilespmem:s7], [sflag:$0x2] =	stream.indirect_vreg.gather [hbm4b:s3+s2], $0x80, v4, vm0, $0xb8;
	[tilespmem:$0x19800] =	vst v63  }
0x90: {  	s8 =	simm.s32 $0xB000  }
0x91: {  	[tilespmem:s8], [sflag:$0x2] =	stream.indirect_vreg.gather [hbm4b:s3+s2], $0x80, v3, vm0, $0xb8;
	[tilespmem:$0x19800] =	vst v63  }
0x92: {  	v3 =	vld [tilespmem:$0xA0];
	_ =	sdelay $0x4  }
0x93: {  	v50 =	vshll.u32 v3, $0x1  }
0x94: {  	v3 =	vand.u32 $0x7, v3;
	v4 =	vand.u32 $0xFFFFFFF0, v50  }
0x95: {  	v3 =	vor.u32 v3, v4  }
0x96: {  	v4 =	vperm.xlane v3, v0;
	_ =	sdelay $0x1  }
0x97: {  	v3 =	vperm.xlane v3, v2;
	v4 =	vadd.s32 v1, v4;
	_ =	sdelay $0x1  }
0x98: {  	v3 =	vadd.s32 v1, v3;
	_ =	sdelay $0x1  }
0x99: {  	s9 =	simm.s32 $0xB800  }
0x9a: {  	[tilespmem:s9], [sflag:$0x2] =	stream.indirect_vreg.gather [hbm4b:s3+s2], $0x80, v4, vm0, $0xb8;
	[tilespmem:$0x19800] =	vst v63  }
0x9b: {  	s11 =	simm.s32 $0xC000  }
0x9c: {  	[tilespmem:s11], [sflag:$0x2] =	stream.indirect_vreg.gather [hbm4b:s3+s2], $0x80, v3, vm0, $0xb8;
	[tilespmem:$0x19800] =	vst v63  }
0x9d: {  	v3 =	vld [tilespmem:$0xB0];
	_ =	sdelay $0x4  }
0x9e: {  	v51 =	vshll.u32 v3, $0x1  }
0x9f: {  	v3 =	vand.u32 $0x7, v3;
	v4 =	vand.u32 $0xFFFFFFF0, v51  }
0xa0: {  	v3 =	vor.u32 v3, v4  }
0xa1: {  	v4 =	vperm.xlane v3, v0;
	_ =	sdelay $0x1  }
0xa2: {  	v3 =	vperm.xlane v3, v2;
	v4 =	vadd.s32 v1, v4;
	_ =	sdelay $0x1  }
0xa3: {  	v3 =	vadd.s32 v1, v3;
	_ =	sdelay $0x1  }
0xa4: {  	s6 =	simm.s32 $0xC800  }
0xa5: {  	[tilespmem:s6], [sflag:$0x2] =	stream.indirect_vreg.gather [hbm4b:s3+s2], $0x80, v4, vm0, $0xb8;
	[tilespmem:$0x19800] =	vst v63  }
0xa6: {  	s7 =	simm.s32 $0xD000  }
0xa7: {  	[tilespmem:s7], [sflag:$0x2] =	stream.indirect_vreg.gather [hbm4b:s3+s2], $0x80, v3, vm0, $0xb8;
	[tilespmem:$0x19800] =	vst v63  }
0xa8: {  	v3 =	vld [tilespmem:$0xC0];
	_ =	sdelay $0x4  }
0xa9: {  	v52 =	vshll.u32 v3, $0x1  }
0xaa: {  	v3 =	vand.u32 $0x7, v3;
	v4 =	vand.u32 $0xFFFFFFF0, v52  }
0xab: {  	v3 =	vor.u32 v3, v4  }
0xac: {  	v4 =	vperm.xlane v3, v0;
	_ =	sdelay $0x1  }
0xad: {  	v3 =	vperm.xlane v3, v2;
	v4 =	vadd.s32 v1, v4;
	_ =	sdelay $0x1  }
0xae: {  	v3 =	vadd.s32 v1, v3;
	_ =	sdelay $0x1  }
0xaf: {  	s8 =	simm.s32 $0xD800  }
0xb0: {  	[tilespmem:s8], [sflag:$0x2] =	stream.indirect_vreg.gather [hbm4b:s3+s2], $0x80, v4, vm0, $0xb8;
	[tilespmem:$0x19800] =	vst v63  }
0xb1: {  	s9 =	simm.s32 $0xE000  }
0xb2: {  	[tilespmem:s9], [sflag:$0x2] =	stream.indirect_vreg.gather [hbm4b:s3+s2], $0x80, v3, vm0, $0xb8;
	[tilespmem:$0x19800] =	vst v63  }
0xb3: {  	v3 =	vld [tilespmem:$0xD0];
	_ =	sdelay $0x4  }
0xb4: {  	v53 =	vshll.u32 v3, $0x1  }
0xb5: {  	v3 =	vand.u32 $0x7, v3;
	v4 =	vand.u32 $0xFFFFFFF0, v53  }
0xb6: {  	v3 =	vor.u32 v3, v4  }
0xb7: {  	v4 =	vperm.xlane v3, v0;
	_ =	sdelay $0x1  }
0xb8: {  	v3 =	vperm.xlane v3, v2;
	v4 =	vadd.s32 v1, v4;
	_ =	sdelay $0x1  }
0xb9: {  	v3 =	vadd.s32 v1, v3;
	_ =	sdelay $0x1  }
0xba: {  	s11 =	simm.s32 $0xE800  }
0xbb: {  	[tilespmem:s11], [sflag:$0x2] =	stream.indirect_vreg.gather [hbm4b:s3+s2], $0x80, v4, vm0, $0xb8;
	[tilespmem:$0x19800] =	vst v63  }
0xbc: {  	_ = 	snop  }
0xbd: {  	[tilespmem:s12], [sflag:$0x2] =	stream.indirect_vreg.gather [hbm4b:s3+s2], $0x80, v3, vm0, $0xb8;
	[tilespmem:$0x19800] =	vst v63  }
0xbe: {  	v3 =	vld [tilespmem:$0xE0];
	_ =	sdelay $0x4  }
0xbf: {  	v54 =	vshll.u32 v3, $0x1  }
0xc0: {  	v3 =	vand.u32 $0x7, v3;
	v4 =	vand.u32 $0xFFFFFFF0, v54  }
0xc1: {  	v3 =	vor.u32 v3, v4  }
0xc2: {  	v4 =	vperm.xlane v3, v0;
	_ =	sdelay $0x1  }
0xc3: {  	v3 =	vperm.xlane v3, v2;
	v4 =	vadd.s32 v1, v4;
	_ =	sdelay $0x1  }
0xc4: {  	v3 =	vadd.s32 v1, v3;
	_ =	sdelay $0x2  }
0xc5: {  	[tilespmem:s13], [sflag:$0x2] =	stream.indirect_vreg.gather [hbm4b:s3+s2], $0x80, v4, vm0, $0xb8;
	[tilespmem:$0x19800] =	vst v63  }
0xc6: {  	_ = 	snop  }
0xc7: {  	[tilespmem:s14], [sflag:$0x2] =	stream.indirect_vreg.gather [hbm4b:s3+s2], $0x80, v3, vm0, $0xb8;
	[tilespmem:$0x19800] =	vst v63  }
0xc8: {  	v3 =	vld [tilespmem:$0xF0];
	_ =	sdelay $0x4  }
0xc9: {  	v55 =	vshll.u32 v3, $0x1  }
0xca: {  	v3 =	vand.u32 $0x7, v3;
	v4 =	vand.u32 $0xFFFFFFF0, v55  }
0xcb: {  	v3 =	vor.u32 v3, v4  }
0xcc: {  	v4 =	vperm.xlane v3, v0;
	_ =	sdelay $0x1  }
0xcd: {  	v3 =	vperm.xlane v3, v2;
	v4 =	vadd.s32 v1, v4;
	_ =	sdelay $0x1  }
0xce: {  	v3 =	vadd.s32 v1, v3;
	_ =	sdelay $0x2  }
0xcf: {  	[tilespmem:s15], [sflag:$0x2] =	stream.indirect_vreg.gather [hbm4b:s3+s2], $0x80, v4, vm0, $0xb8;
	[tilespmem:$0x19800] =	vst v63  }
0xd0: {  	_ = 	snop  }
0xd1: {  	[tilespmem:s16], [sflag:$0x2] =	stream.indirect_vreg.gather [hbm4b:s3+s2], $0x80, v3, vm0, $0xb8;
	[tilespmem:$0x19800] =	vst v63  }
0xd2: {  	v3 =	vld [tilespmem:$0x100];
	_ =	sdelay $0x4  }
0xd3: {  	v56 =	vshll.u32 v3, $0x1  }
0xd4: {  	v3 =	vand.u32 $0x7, v3;
	v4 =	vand.u32 $0xFFFFFFF0, v56  }
0xd5: {  	v3 =	vor.u32 v3, v4  }
0xd6: {  	v4 =	vperm.xlane v3, v0;
	_ =	sdelay $0x1  }
0xd7: {  	v3 =	vperm.xlane v3, v2;
	v4 =	vadd.s32 v1, v4;
	_ =	sdelay $0x1  }
0xd8: {  	v3 =	vadd.s32 v1, v3;
	_ =	sdelay $0x2  }
0xd9: {  	[tilespmem:s17], [sflag:$0x3] =	stream.indirect_vreg.gather [hbm4b:s3+s2], $0x80, v4, vm0, $0xb8;
	[tilespmem:$0x19800] =	vst v63  }
0xda: {  	_ = 	snop  }
0xdb: {  	[tilespmem:s18], [sflag:$0x3] =	stream.indirect_vreg.gather [hbm4b:s3+s2], $0x80, v3, vm0, $0xb8;
	[tilespmem:$0x19800] =	vst v63  }
0xdc: {  	v3 =	vld [tilespmem:$0x110];
	_ =	sdelay $0x4  }
0xdd: {  	v57 =	vshll.u32 v3, $0x1  }
0xde: {  	v3 =	vand.u32 $0x7, v3;
	v4 =	vand.u32 $0xFFFFFFF0, v57  }
0xdf: {  	v3 =	vor.u32 v3, v4  }
0xe0: {  	v4 =	vperm.xlane v3, v0;
	_ =	sdelay $0x1  }
0xe1: {  	v3 =	vperm.xlane v3, v2;
	v4 =	vadd.s32 v1, v4;
	_ =	sdelay $0x1  }
0xe2: {  	v3 =	vadd.s32 v1, v3;
	_ =	sdelay $0x2  }
0xe3: {  	[tilespmem:s19], [sflag:$0x3] =	stream.indirect_vreg.gather [hbm4b:s3+s2], $0x80, v4, vm0, $0xb8;
	[tilespmem:$0x19800] =	vst v63  }
0xe4: {  	_ = 	snop  }
0xe5: {  	[tilespmem:s20], [sflag:$0x3] =	stream.indirect_vreg.gather [hbm4b:s3+s2], $0x80, v3, vm0, $0xb8;
	[tilespmem:$0x19800] =	vst v63  }
0xe6: {  	v3 =	vld [tilespmem:$0x120];
	_ =	sdelay $0x4  }
0xe7: {  	v58 =	vshll.u32 v3, $0x1  }
0xe8: {  	v3 =	vand.u32 $0x7, v3;
	v4 =	vand.u32 $0xFFFFFFF0, v58  }
0xe9: {  	v3 =	vor.u32 v3, v4  }
0xea: {  	v4 =	vperm.xlane v3, v0;
	_ =	sdelay $0x1  }
0xeb: {  	v3 =	vperm.xlane v3, v2;
	v4 =	vadd.s32 v1, v4;
	_ =	sdelay $0x1  }
0xec: {  	v3 =	vadd.s32 v1, v3;
	_ =	sdelay $0x2  }
0xed: {  	[tilespmem:s21], [sflag:$0x3] =	stream.indirect_vreg.gather [hbm4b:s3+s2], $0x80, v4, vm0, $0xb8;
	[tilespmem:$0x19800] =	vst v63  }
0xee: {  	_ = 	snop  }
0xef: {  	[tilespmem:s22], [sflag:$0x3] =	stream.indirect_vreg.gather [hbm4b:s3+s2], $0x80, v3, vm0, $0xb8;
	[tilespmem:$0x19800] =	vst v63  }
0xf0: {  	v3 =	vld [tilespmem:$0x130];
	_ =	sdelay $0x4  }
0xf1: {  	v59 =	vshll.u32 v3, $0x1  }
0xf2: {  	v3 =	vand.u32 $0x7, v3;
	v4 =	vand.u32 $0xFFFFFFF0, v59  }
0xf3: {  	v3 =	vor.u32 v3, v4  }
0xf4: {  	v4 =	vperm.xlane v3, v0;
	_ =	sdelay $0x1  }
0xf5: {  	v3 =	vperm.xlane v3, v2;
	v4 =	vadd.s32 v1, v4;
	_ =	sdelay $0x1  }
0xf6: {  	v3 =	vadd.s32 v1, v3;
	_ =	sdelay $0x2  }
0xf7: {  	[tilespmem:s23], [sflag:$0x3] =	stream.indirect_vreg.gather [hbm4b:s3+s2], $0x80, v4, vm0, $0xb8;
	[tilespmem:$0x19800] =	vst v63  }
0xf8: {  	_ = 	snop  }
0xf9: {  	[tilespmem:s24], [sflag:$0x3] =	stream.indirect_vreg.gather [hbm4b:s3+s2], $0x80, v3, vm0, $0xb8;
	[tilespmem:$0x19800] =	vst v63  }
0xfa: {  	v3 =	vld [tilespmem:$0x140];
	_ =	sdelay $0x4  }
0xfb: {  	v60 =	vshll.u32 v3, $0x1  }
0xfc: {  	v3 =	vand.u32 $0x7, v3;
	v4 =	vand.u32 $0xFFFFFFF0, v60  }
0xfd: {  	v3 =	vor.u32 v3, v4  }
0xfe: {  	v4 =	vperm.xlane v3, v0;
	_ =	sdelay $0x1  }
0xff: {  	v3 =	vperm.xlane v3, v2;
	v4 =	vadd.s32 v1, v4;
	_ =	sdelay $0x1  }
0x100: {  	v3 =	vadd.s32 v1, v3;
	_ =	sdelay $0x2  }
0x101: {  	[tilespmem:s25], [sflag:$0x3] =	stream.indirect_vreg.gather [hbm4b:s3+s2], $0x80, v4, vm0, $0xb8;
	[tilespmem:$0x19800] =	vst v63  }
0x102: {  	_ = 	snop  }
0x103: {  	[tilespmem:s26], [sflag:$0x3] =	stream.indirect_vreg.gather [hbm4b:s3+s2], $0x80, v3, vm0, $0xb8;
	[tilespmem:$0x19800] =	vst v63  }
0x104: {  	v3 =	vld [tilespmem:$0x150];
	_ =	sdelay $0x4  }
0x105: {  	v61 =	vshll.u32 v3, $0x1  }
0x106: {  	v3 =	vand.u32 $0x7, v3;
	v4 =	vand.u32 $0xFFFFFFF0, v61  }
0x107: {  	v3 =	vor.u32 v3, v4  }
0x108: {  	v4 =	vperm.xlane v3, v0;
	_ =	sdelay $0x1  }
0x109: {  	v3 =	vperm.xlane v3, v2;
	v4 =	vadd.s32 v1, v4;
	_ =	sdelay $0x1  }
0x10a: {  	v3 =	vadd.s32 v1, v3;
	_ =	sdelay $0x2  }
0x10b: {  	[tilespmem:s28], [sflag:$0x3] =	stream.indirect_vreg.gather [hbm4b:s3+s2], $0x80, v4, vm0, $0xb8;
	[tilespmem:$0x19800] =	vst v63  }
0x10c: {  	_ = 	snop  }
0x10d: {  	[tilespmem:s29], [sflag:$0x3] =	stream.indirect_vreg.gather [hbm4b:s3+s2], $0x80, v3, vm0, $0xb8;
	[tilespmem:$0x19800] =	vst v63  }
0x10e: {  	v3 =	vld [tilespmem:$0x160];
	_ =	sdelay $0x4  }
0x10f: {  	v62 =	vshll.u32 v3, $0x1  }
0x110: {  	v3 =	vand.u32 $0x7, v3;
	v4 =	vand.u32 $0xFFFFFFF0, v62  }
0x111: {  	v3 =	vor.u32 v3, v4  }
0x112: {  	v4 =	vperm.xlane v3, v0;
	_ =	sdelay $0x1  }
0x113: {  	v3 =	vperm.xlane v3, v2;
	v4 =	vadd.s32 v1, v4;
	_ =	sdelay $0x1  }
0x114: {  	v3 =	vadd.s32 v1, v3;
	_ =	sdelay $0x2  }
0x115: {  	[tilespmem:s30], [sflag:$0x3] =	stream.indirect_vreg.gather [hbm4b:s3+s2], $0x80, v4, vm0, $0xb8;
	[tilespmem:$0x19800] =	vst v63  }
0x116: {  	_ = 	snop  }
0x117: {  	[tilespmem:s31], [sflag:$0x3] =	stream.indirect_vreg.gather [hbm4b:s3+s2], $0x80, v3, vm0, $0xb8;
	[tilespmem:$0x19800] =	vst v63  }
0x118: {  	v3 =	vld [tilespmem:$0x170];
	_ =	sdelay $0x4  }
0x119: {  	v63 =	vshll.u32 v3, $0x1  }
0x11a: {  	v3 =	vand.u32 $0x7, v3;
	v4 =	vand.u32 $0xFFFFFFF0, v63  }
0x11b: {  	v3 =	vor.u32 v3, v4  }
0x11c: {  	v4 =	vperm.xlane v3, v0;
	_ =	sdelay $0x1  }
0x11d: {  	v3 =	vperm.xlane v3, v2;
	v4 =	vadd.s32 v1, v4;
	_ =	sdelay $0x1  }
0x11e: {  	v3 =	vadd.s32 v1, v3  }
.Ltmp2:
0x11f: {  	_ = 	snop;
	(pc) =	sbr.rel .LBB2_2-.Ltmp2, $4  }
0x120: {  	_ = 	snop  }
0x121: {  	[tilespmem:s0], [sflag:$0x3] =	stream.indirect_vreg.gather [hbm4b:s3+s2], $0x80, v4, vm0, $0xb8;
	[tilespmem:$0x19800] =	vst v63  }
0x122: {  	s5 =	rddreg [dreg:$0x6];
	s9 =	simm.s32 $0x5;
	s11 =	simm.s32 $0x2F0  }
0x123: {  	[tilespmem:s1], [sflag:$0x3] =	stream.indirect_vreg.gather [hbm4b:s3+s2], $0x80, v3, vm0, $0xb8;
	[tilespmem:$0x19800] =	vst v63  }
.LBB2_8:
0x124: {  	s9 =	sadd.s32 $0x3, s9  }
0x125: {  	p0 =	sne.s32 s9, $0x32  }
.Ltmp3:
0x126: {  	_ = 	snop;
	(pc) =	sbr.rel @!p0 .LBB2_9-.Ltmp3, $2  }
0x127: {  	_ =	sdelay $0x2  }
0x128: {  	s5 =	sadd.s32 $0x18000, s5;
	s11 =	sadd.s32 $0x180, s11  }
.LBB2_2:
0x129: {  	s6 =	sadd.s32 $0xFFFFFFFB, s9  }
0x12a: {  	p0 =	sge.u32 s6, s4  }
0x12b: {  	s6 =	simm.s32 @!p0 $0x1  }
0x12c: {  	_ =	swait.ge @!p0 [sflag:s6], $0x8000  }
0x12d: {  	[sflag:s6] =	ssyncset.done @!p0 $0x0  }
0x12e: {  	s7 =	simm.s32 @!p0 $0x1800;
	[sflag:s6] =	ssyncadd.s32 @!p0 $0xFFFF8000;
	s6 =	simm.s32 @!p0 $0x0  }
0x12f: {  	[hbm4b:s5+s6] =	stream.linear.scatter @!p0 [tilespmem:s7], [sflag:$0x4], $0x8000, $0x38;
	[tilespmem:$0x19800] =	vst v63  }
0x130: {  	s7 =	sadd.s32 @!p0 $0xFFFFFFFE, s9  }
0x131: {  	p1 =	sge.u32 @!p0 s7, s4  }
0x132: {  	p1 =	por p0, p1  }
.Ltmp4:
0x133: {  	_ = 	snop;
	(pc) =	sbr.rel @p1 .LBB2_4-.Ltmp4, $4  }
0x134: {  	s6 =	simm.s32 @!p0 $0x4  }
0x135: {  	_ =	swait.ge @!p0 [sflag:s6], $0x8000  }
0x136: {  	[sflag:s6] =	ssyncset.done @!p0 $0x0  }
0x137: {  	[sflag:s6] =	ssyncadd.s32 @!p0 $0xFFFF8000  }
0x138: {  	v3 =	vld [tilespmem:s11+$0xFFFFFE90];
	_ =	sdelay $0x4  }
0x139: {  	v4 =	vshll.u32 v3, $0x1  }
0x13a: {  	v3 =	vand.u32 $0x7, v3;
	v4 =	vand.u32 $0xFFFFFFF0, v4  }
0x13b: {  	v3 =	vor.u32 v3, v4  }
0x13c: {  	v4 =	vperm.xlane v3, v0;
	_ =	sdelay $0x1  }
0x13d: {  	v3 =	vperm.xlane v3, v2;
	v4 =	vadd.s32 v1, v4;
	_ =	sdelay $0x1  }
0x13e: {  	v3 =	vadd.s32 v1, v3;
	_ =	sdelay $0x1  }
0x13f: {  	s6 =	simm.s32 $0x1800  }
0x140: {  	[tilespmem:s6], [sflag:$0x1] =	stream.indirect_vreg.gather [hbm4b:s3+s2], $0x80, v4, vm0, $0xb8;
	[tilespmem:$0x19800] =	vst v63  }
0x141: {  	_ = 	snop  }
0x142: {  	[tilespmem:s10], [sflag:$0x1] =	stream.indirect_vreg.gather [hbm4b:s3+s2], $0x80, v3, vm0, $0xb8;
	[tilespmem:$0x19800] =	vst v63  }
0x143: {  	v3 =	vld [tilespmem:s11+$0xFFFFFEA0];
	_ =	sdelay $0x4  }
0x144: {  	v57 =	vshll.u32 v3, $0x1  }
0x145: {  	v3 =	vand.u32 $0x7, v3;
	v4 =	vand.u32 $0xFFFFFFF0, v57  }
0x146: {  	v3 =	vor.u32 v3, v4  }
0x147: {  	v4 =	vperm.xlane v3, v0;
	_ =	sdelay $0x1  }
0x148: {  	v3 =	vperm.xlane v3, v2;
	v4 =	vadd.s32 v1, v4;
	_ =	sdelay $0x1  }
0x149: {  	v3 =	vadd.s32 v1, v3;
	_ =	sdelay $0x1  }
0x14a: {  	s7 =	simm.s32 $0x2800  }
0x14b: {  	[tilespmem:s7], [sflag:$0x1] =	stream.indirect_vreg.gather [hbm4b:s3+s2], $0x80, v4, vm0, $0xb8;
	[tilespmem:$0x19800] =	vst v63  }
0x14c: {  	s8 =	simm.s32 $0x3000  }
0x14d: {  	[tilespmem:s8], [sflag:$0x1] =	stream.indirect_vreg.gather [hbm4b:s3+s2], $0x80, v3, vm0, $0xb8;
	[tilespmem:$0x19800] =	vst v63  }
0x14e: {  	v3 =	vld [tilespmem:s11+$0xFFFFFEB0];
	_ =	sdelay $0x4  }
0x14f: {  	v58 =	vshll.u32 v3, $0x1  }
0x150: {  	v3 =	vand.u32 $0x7, v3;
	v4 =	vand.u32 $0xFFFFFFF0, v58  }
0x151: {  	v3 =	vor.u32 v3, v4  }
0x152: {  	v4 =	vperm.xlane v3, v0;
	_ =	sdelay $0x1  }
0x153: {  	v3 =	vperm.xlane v3, v2;
	v4 =	vadd.s32 v1, v4;
	_ =	sdelay $0x1  }
0x154: {  	v3 =	vadd.s32 v1, v3;
	_ =	sdelay $0x1  }
0x155: {  	s7 =	simm.s32 $0x3800  }
0x156: {  	[tilespmem:s7], [sflag:$0x1] =	stream.indirect_vreg.gather [hbm4b:s3+s2], $0x80, v4, vm0, $0xb8;
	[tilespmem:$0x19800] =	vst v63  }
0x157: {  	s8 =	simm.s32 $0x4000  }
0x158: {  	[tilespmem:s8], [sflag:$0x1] =	stream.indirect_vreg.gather [hbm4b:s3+s2], $0x80, v3, vm0, $0xb8;
	[tilespmem:$0x19800] =	vst v63  }
0x159: {  	v3 =	vld [tilespmem:s11+$0xFFFFFEC0];
	_ =	sdelay $0x4  }
0x15a: {  	v59 =	vshll.u32 v3, $0x1  }
0x15b: {  	v3 =	vand.u32 $0x7, v3;
	v4 =	vand.u32 $0xFFFFFFF0, v59  }
0x15c: {  	v3 =	vor.u32 v3, v4  }
0x15d: {  	v4 =	vperm.xlane v3, v0;
	_ =	sdelay $0x1  }
0x15e: {  	v3 =	vperm.xlane v3, v2;
	v4 =	vadd.s32 v1, v4;
	_ =	sdelay $0x1  }
0x15f: {  	v3 =	vadd.s32 v1, v3;
	_ =	sdelay $0x1  }
0x160: {  	s7 =	simm.s32 $0x4800  }
0x161: {  	[tilespmem:s7], [sflag:$0x1] =	stream.indirect_vreg.gather [hbm4b:s3+s2], $0x80, v4, vm0, $0xb8;
	[tilespmem:$0x19800] =	vst v63  }
0x162: {  	s8 =	simm.s32 $0x5000  }
0x163: {  	[tilespmem:s8], [sflag:$0x1] =	stream.indirect_vreg.gather [hbm4b:s3+s2], $0x80, v3, vm0, $0xb8;
	[tilespmem:$0x19800] =	vst v63  }
0x164: {  	v3 =	vld [tilespmem:s11+$0xFFFFFED0];
	_ =	sdelay $0x4  }
0x165: {  	v60 =	vshll.u32 v3, $0x1  }
0x166: {  	v3 =	vand.u32 $0x7, v3;
	v4 =	vand.u32 $0xFFFFFFF0, v60  }
0x167: {  	v3 =	vor.u32 v3, v4  }
0x168: {  	v4 =	vperm.xlane v3, v0;
	_ =	sdelay $0x1  }
0x169: {  	v3 =	vperm.xlane v3, v2;
	v4 =	vadd.s32 v1, v4;
	_ =	sdelay $0x1  }
0x16a: {  	v3 =	vadd.s32 v1, v3;
	_ =	sdelay $0x1  }
0x16b: {  	s7 =	simm.s32 $0x5800  }
0x16c: {  	[tilespmem:s7], [sflag:$0x1] =	stream.indirect_vreg.gather [hbm4b:s3+s2], $0x80, v4, vm0, $0xb8;
	[tilespmem:$0x19800] =	vst v63  }
0x16d: {  	s8 =	simm.s32 $0x6000  }
0x16e: {  	[tilespmem:s8], [sflag:$0x1] =	stream.indirect_vreg.gather [hbm4b:s3+s2], $0x80, v3, vm0, $0xb8;
	[tilespmem:$0x19800] =	vst v63  }
0x16f: {  	v3 =	vld [tilespmem:s11+$0xFFFFFEE0];
	_ =	sdelay $0x4  }
0x170: {  	v61 =	vshll.u32 v3, $0x1  }
0x171: {  	v3 =	vand.u32 $0x7, v3;
	v4 =	vand.u32 $0xFFFFFFF0, v61  }
0x172: {  	v3 =	vor.u32 v3, v4  }
0x173: {  	v4 =	vperm.xlane v3, v0;
	_ =	sdelay $0x1  }
0x174: {  	v3 =	vperm.xlane v3, v2;
	v4 =	vadd.s32 v1, v4;
	_ =	sdelay $0x1  }
0x175: {  	v3 =	vadd.s32 v1, v3;
	_ =	sdelay $0x1  }
0x176: {  	s7 =	simm.s32 $0x6800  }
0x177: {  	[tilespmem:s7], [sflag:$0x1] =	stream.indirect_vreg.gather [hbm4b:s3+s2], $0x80, v4, vm0, $0xb8;
	[tilespmem:$0x19800] =	vst v63  }
0x178: {  	s8 =	simm.s32 $0x7000  }
0x179: {  	[tilespmem:s8], [sflag:$0x1] =	stream.indirect_vreg.gather [hbm4b:s3+s2], $0x80, v3, vm0, $0xb8;
	[tilespmem:$0x19800] =	vst v63  }
0x17a: {  	v3 =	vld [tilespmem:s11+$0xFFFFFEF0];
	_ =	sdelay $0x4  }
0x17b: {  	v62 =	vshll.u32 v3, $0x1  }
0x17c: {  	v3 =	vand.u32 $0x7, v3;
	v4 =	vand.u32 $0xFFFFFFF0, v62  }
0x17d: {  	v3 =	vor.u32 v3, v4  }
0x17e: {  	v4 =	vperm.xlane v3, v0;
	_ =	sdelay $0x1  }
0x17f: {  	v3 =	vperm.xlane v3, v2;
	v4 =	vadd.s32 v1, v4;
	_ =	sdelay $0x1  }
0x180: {  	v3 =	vadd.s32 v1, v3;
	_ =	sdelay $0x1  }
0x181: {  	s7 =	simm.s32 $0x7800  }
0x182: {  	[tilespmem:s7], [sflag:$0x1] =	stream.indirect_vreg.gather [hbm4b:s3+s2], $0x80, v4, vm0, $0xb8;
	[tilespmem:$0x19800] =	vst v63  }
0x183: {  	s8 =	simm.s32 $0x8000  }
0x184: {  	[tilespmem:s8], [sflag:$0x1] =	stream.indirect_vreg.gather [hbm4b:s3+s2], $0x80, v3, vm0, $0xb8;
	[tilespmem:$0x19800] =	vst v63  }
0x185: {  	v3 =	vld [tilespmem:s11+$0xFFFFFF00];
	_ =	sdelay $0x4  }
0x186: {  	v63 =	vshll.u32 v3, $0x1  }
0x187: {  	v3 =	vand.u32 $0x7, v3;
	v4 =	vand.u32 $0xFFFFFFF0, v63  }
0x188: {  	v3 =	vor.u32 v3, v4  }
0x189: {  	v4 =	vperm.xlane v3, v0;
	_ =	sdelay $0x1  }
0x18a: {  	v3 =	vperm.xlane v3, v2;
	v4 =	vadd.s32 v1, v4;
	_ =	sdelay $0x1  }
0x18b: {  	v3 =	vadd.s32 v1, v3;
	_ =	sdelay $0x1  }
0x18c: {  	s7 =	simm.s32 $0x8800  }
0x18d: {  	[tilespmem:s7], [sflag:$0x1] =	stream.indirect_vreg.gather [hbm4b:s3+s2], $0x80, v4, vm0, $0xb8;
	[tilespmem:$0x19800] =	vst v63  }
0x18e: {  	s8 =	simm.s32 $0x9000  }
0x18f: {  	[tilespmem:s8], [sflag:$0x1] =	stream.indirect_vreg.gather [hbm4b:s3+s2], $0x80, v3, vm0, $0xb8;
	[tilespmem:$0x19800] =	vst v63  }
.LBB2_4:
0x190: {  	s6 =	sadd.s32 $0xFFFFFFFC, s9  }
0x191: {  	p0 =	sge.u32 s6, s4  }
0x192: {  	s6 =	simm.s32 @!p0 $0x2  }
0x193: {  	_ =	swait.ge @!p0 [sflag:s6], $0x8000  }
0x194: {  	s7 =	simm.s32 @!p0 $0x0;
	[sflag:s6] =	ssyncset.done @!p0 $0x0  }
0x195: {  	s8 =	simm.s32 @!p0 $0x9800;
	[sflag:s6] =	ssyncadd.s32 @!p0 $0xFFFF8000;
	s6 =	sadd.s32 @!p0 $0x8000, s5  }
0x196: {  	[hbm4b:s6+s7] =	stream.linear.scatter @!p0 [tilespmem:s8], [sflag:$0x5], $0x8000, $0x38;
	[tilespmem:$0x19800] =	vst v63  }
0x197: {  	s7 =	sadd.s32 @!p0 $0xFFFFFFFF, s9  }
0x198: {  	p1 =	sge.u32 @!p0 s7, s4  }
0x199: {  	p1 =	por p0, p1  }
.Ltmp5:
0x19a: {  	_ = 	snop;
	(pc) =	sbr.rel @p1 .LBB2_6-.Ltmp5, $4  }
0x19b: {  	s6 =	simm.s32 @!p0 $0x5  }
0x19c: {  	_ =	swait.ge @!p0 [sflag:s6], $0x8000  }
0x19d: {  	[sflag:s6] =	ssyncset.done @!p0 $0x0  }
0x19e: {  	[sflag:s6] =	ssyncadd.s32 @!p0 $0xFFFF8000  }
0x19f: {  	v3 =	vld [tilespmem:s11+$0xFFFFFF10];
	_ =	sdelay $0x4  }
0x1a0: {  	v4 =	vshll.u32 v3, $0x1  }
0x1a1: {  	v3 =	vand.u32 $0x7, v3;
	v4 =	vand.u32 $0xFFFFFFF0, v4  }
0x1a2: {  	v3 =	vor.u32 v3, v4  }
0x1a3: {  	v4 =	vperm.xlane v3, v0;
	_ =	sdelay $0x1  }
0x1a4: {  	v3 =	vperm.xlane v3, v2;
	v4 =	vadd.s32 v1, v4;
	_ =	sdelay $0x1  }
0x1a5: {  	v3 =	vadd.s32 v1, v3;
	_ =	sdelay $0x1  }
0x1a6: {  	s6 =	simm.s32 $0x9800  }
0x1a7: {  	[tilespmem:s6], [sflag:$0x2] =	stream.indirect_vreg.gather [hbm4b:s3+s2], $0x80, v4, vm0, $0xb8;
	[tilespmem:$0x19800] =	vst v63  }
0x1a8: {  	s7 =	simm.s32 $0xA000  }
0x1a9: {  	[tilespmem:s7], [sflag:$0x2] =	stream.indirect_vreg.gather [hbm4b:s3+s2], $0x80, v3, vm0, $0xb8;
	[tilespmem:$0x19800] =	vst v63  }
0x1aa: {  	v3 =	vld [tilespmem:s11+$0xFFFFFF20];
	_ =	sdelay $0x4  }
0x1ab: {  	v57 =	vshll.u32 v3, $0x1  }
0x1ac: {  	v3 =	vand.u32 $0x7, v3;
	v4 =	vand.u32 $0xFFFFFFF0, v57  }
0x1ad: {  	v3 =	vor.u32 v3, v4  }
0x1ae: {  	v4 =	vperm.xlane v3, v0;
	_ =	sdelay $0x1  }
0x1af: {  	v3 =	vperm.xlane v3, v2;
	v4 =	vadd.s32 v1, v4;
	_ =	sdelay $0x1  }
0x1b0: {  	v3 =	vadd.s32 v1, v3;
	_ =	sdelay $0x1  }
0x1b1: {  	s8 =	simm.s32 $0xA800  }
0x1b2: {  	[tilespmem:s8], [sflag:$0x2] =	stream.indirect_vreg.gather [hbm4b:s3+s2], $0x80, v4, vm0, $0xb8;
	[tilespmem:$0x19800] =	vst v63  }
0x1b3: {  	s7 =	simm.s32 $0xB000  }
0x1b4: {  	[tilespmem:s7], [sflag:$0x2] =	stream.indirect_vreg.gather [hbm4b:s3+s2], $0x80, v3, vm0, $0xb8;
	[tilespmem:$0x19800] =	vst v63  }
0x1b5: {  	v3 =	vld [tilespmem:s11+$0xFFFFFF30];
	_ =	sdelay $0x4  }
0x1b6: {  	v58 =	vshll.u32 v3, $0x1  }
0x1b7: {  	v3 =	vand.u32 $0x7, v3;
	v4 =	vand.u32 $0xFFFFFFF0, v58  }
0x1b8: {  	v3 =	vor.u32 v3, v4  }
0x1b9: {  	v4 =	vperm.xlane v3, v0;
	_ =	sdelay $0x1  }
0x1ba: {  	v3 =	vperm.xlane v3, v2;
	v4 =	vadd.s32 v1, v4;
	_ =	sdelay $0x1  }
0x1bb: {  	v3 =	vadd.s32 v1, v3;
	_ =	sdelay $0x1  }
0x1bc: {  	s8 =	simm.s32 $0xB800  }
0x1bd: {  	[tilespmem:s8], [sflag:$0x2] =	stream.indirect_vreg.gather [hbm4b:s3+s2], $0x80, v4, vm0, $0xb8;
	[tilespmem:$0x19800] =	vst v63  }
0x1be: {  	s7 =	simm.s32 $0xC000  }
0x1bf: {  	[tilespmem:s7], [sflag:$0x2] =	stream.indirect_vreg.gather [hbm4b:s3+s2], $0x80, v3, vm0, $0xb8;
	[tilespmem:$0x19800] =	vst v63  }
0x1c0: {  	v3 =	vld [tilespmem:s11+$0xFFFFFF40];
	_ =	sdelay $0x4  }
0x1c1: {  	v59 =	vshll.u32 v3, $0x1  }
0x1c2: {  	v3 =	vand.u32 $0x7, v3;
	v4 =	vand.u32 $0xFFFFFFF0, v59  }
0x1c3: {  	v3 =	vor.u32 v3, v4  }
0x1c4: {  	v4 =	vperm.xlane v3, v0;
	_ =	sdelay $0x1  }
0x1c5: {  	v3 =	vperm.xlane v3, v2;
	v4 =	vadd.s32 v1, v4;
	_ =	sdelay $0x1  }
0x1c6: {  	v3 =	vadd.s32 v1, v3;
	_ =	sdelay $0x1  }
0x1c7: {  	s8 =	simm.s32 $0xC800  }
0x1c8: {  	[tilespmem:s8], [sflag:$0x2] =	stream.indirect_vreg.gather [hbm4b:s3+s2], $0x80, v4, vm0, $0xb8;
	[tilespmem:$0x19800] =	vst v63  }
0x1c9: {  	s7 =	simm.s32 $0xD000  }
0x1ca: {  	[tilespmem:s7], [sflag:$0x2] =	stream.indirect_vreg.gather [hbm4b:s3+s2], $0x80, v3, vm0, $0xb8;
	[tilespmem:$0x19800] =	vst v63  }
0x1cb: {  	v3 =	vld [tilespmem:s11+$0xFFFFFF50];
	_ =	sdelay $0x4  }
0x1cc: {  	v60 =	vshll.u32 v3, $0x1  }
0x1cd: {  	v3 =	vand.u32 $0x7, v3;
	v4 =	vand.u32 $0xFFFFFFF0, v60  }
0x1ce: {  	v3 =	vor.u32 v3, v4  }
0x1cf: {  	v4 =	vperm.xlane v3, v0;
	_ =	sdelay $0x1  }
0x1d0: {  	v3 =	vperm.xlane v3, v2;
	v4 =	vadd.s32 v1, v4;
	_ =	sdelay $0x1  }
0x1d1: {  	v3 =	vadd.s32 v1, v3;
	_ =	sdelay $0x1  }
0x1d2: {  	s8 =	simm.s32 $0xD800  }
0x1d3: {  	[tilespmem:s8], [sflag:$0x2] =	stream.indirect_vreg.gather [hbm4b:s3+s2], $0x80, v4, vm0, $0xb8;
	[tilespmem:$0x19800] =	vst v63  }
0x1d4: {  	s7 =	simm.s32 $0xE000  }
0x1d5: {  	[tilespmem:s7], [sflag:$0x2] =	stream.indirect_vreg.gather [hbm4b:s3+s2], $0x80, v3, vm0, $0xb8;
	[tilespmem:$0x19800] =	vst v63  }
0x1d6: {  	v3 =	vld [tilespmem:s11+$0xFFFFFF60];
	_ =	sdelay $0x4  }
0x1d7: {  	v61 =	vshll.u32 v3, $0x1  }
0x1d8: {  	v3 =	vand.u32 $0x7, v3;
	v4 =	vand.u32 $0xFFFFFFF0, v61  }
0x1d9: {  	v3 =	vor.u32 v3, v4  }
0x1da: {  	v4 =	vperm.xlane v3, v0;
	_ =	sdelay $0x1  }
0x1db: {  	v3 =	vperm.xlane v3, v2;
	v4 =	vadd.s32 v1, v4;
	_ =	sdelay $0x1  }
0x1dc: {  	v3 =	vadd.s32 v1, v3;
	_ =	sdelay $0x1  }
0x1dd: {  	s8 =	simm.s32 $0xE800  }
0x1de: {  	[tilespmem:s8], [sflag:$0x2] =	stream.indirect_vreg.gather [hbm4b:s3+s2], $0x80, v4, vm0, $0xb8;
	[tilespmem:$0x19800] =	vst v63  }
0x1df: {  	_ = 	snop  }
0x1e0: {  	[tilespmem:s12], [sflag:$0x2] =	stream.indirect_vreg.gather [hbm4b:s3+s2], $0x80, v3, vm0, $0xb8;
	[tilespmem:$0x19800] =	vst v63  }
0x1e1: {  	v3 =	vld [tilespmem:s11+$0xFFFFFF70];
	_ =	sdelay $0x4  }
0x1e2: {  	v62 =	vshll.u32 v3, $0x1  }
0x1e3: {  	v3 =	vand.u32 $0x7, v3;
	v4 =	vand.u32 $0xFFFFFFF0, v62  }
0x1e4: {  	v3 =	vor.u32 v3, v4  }
0x1e5: {  	v4 =	vperm.xlane v3, v0;
	_ =	sdelay $0x1  }
0x1e6: {  	v3 =	vperm.xlane v3, v2;
	v4 =	vadd.s32 v1, v4;
	_ =	sdelay $0x1  }
0x1e7: {  	v3 =	vadd.s32 v1, v3;
	_ =	sdelay $0x2  }
0x1e8: {  	[tilespmem:s13], [sflag:$0x2] =	stream.indirect_vreg.gather [hbm4b:s3+s2], $0x80, v4, vm0, $0xb8;
	[tilespmem:$0x19800] =	vst v63  }
0x1e9: {  	_ = 	snop  }
0x1ea: {  	[tilespmem:s14], [sflag:$0x2] =	stream.indirect_vreg.gather [hbm4b:s3+s2], $0x80, v3, vm0, $0xb8;
	[tilespmem:$0x19800] =	vst v63  }
0x1eb: {  	v3 =	vld [tilespmem:s11+$0xFFFFFF80];
	_ =	sdelay $0x4  }
0x1ec: {  	v63 =	vshll.u32 v3, $0x1  }
0x1ed: {  	v3 =	vand.u32 $0x7, v3;
	v4 =	vand.u32 $0xFFFFFFF0, v63  }
0x1ee: {  	v3 =	vor.u32 v3, v4  }
0x1ef: {  	v4 =	vperm.xlane v3, v0;
	_ =	sdelay $0x1  }
0x1f0: {  	v3 =	vperm.xlane v3, v2;
	v4 =	vadd.s32 v1, v4;
	_ =	sdelay $0x1  }
0x1f1: {  	v3 =	vadd.s32 v1, v3;
	_ =	sdelay $0x2  }
0x1f2: {  	[tilespmem:s15], [sflag:$0x2] =	stream.indirect_vreg.gather [hbm4b:s3+s2], $0x80, v4, vm0, $0xb8;
	[tilespmem:$0x19800] =	vst v63  }
0x1f3: {  	_ = 	snop  }
0x1f4: {  	[tilespmem:s16], [sflag:$0x2] =	stream.indirect_vreg.gather [hbm4b:s3+s2], $0x80, v3, vm0, $0xb8;
	[tilespmem:$0x19800] =	vst v63  }
.LBB2_6:
0x1f5: {  	s6 =	sadd.s32 $0xFFFFFFFD, s9  }
0x1f6: {  	p0 =	sge.u32 s6, s4  }
0x1f7: {  	s6 =	simm.s32 @!p0 $0x3  }
0x1f8: {  	s7 =	simm.s32 @!p0 $0x0;
	_ =	swait.ge @!p0 [sflag:s6], $0x8000  }
0x1f9: {  	s8 =	simm.s32 @!p0 $0x11800;
	p1 =	sge.u32 @!p0 s9, s4;
	[sflag:s6] =	ssyncset.done @!p0 $0x0  }
0x1fa: {  	p1 =	por p0, p1;
	[sflag:s6] =	ssyncadd.s32 @!p0 $0xFFFF8000;
	s6 =	sadd.s32 @!p0 $0x10000, s5  }
0x1fb: {  	[hbm4b:s6+s7] =	stream.linear.scatter @!p0 [tilespmem:s8], [sflag:$0x6], $0x8000, $0x38;
	[tilespmem:$0x19800] =	vst v63  }
.Ltmp6:
0x1fc: {  	_ = 	snop;
	(pc) =	sbr.rel @p1 .LBB2_8-.Ltmp6, $4  }
0x1fd: {  	s6 =	simm.s32 @!p0 $0x6  }
0x1fe: {  	_ =	swait.ge @!p0 [sflag:s6], $0x8000  }
0x1ff: {  	[sflag:s6] =	ssyncset.done @!p0 $0x0  }
0x200: {  	[sflag:s6] =	ssyncadd.s32 @!p0 $0xFFFF8000  }
0x201: {  	v3 =	vld [tilespmem:s11+$0xFFFFFF90];
	_ =	sdelay $0x4  }
0x202: {  	v4 =	vshll.u32 v3, $0x1  }
0x203: {  	v3 =	vand.u32 $0x7, v3;
	v4 =	vand.u32 $0xFFFFFFF0, v4  }
0x204: {  	v3 =	vor.u32 v3, v4  }
0x205: {  	v4 =	vperm.xlane v3, v0;
	_ =	sdelay $0x1  }
0x206: {  	v3 =	vperm.xlane v3, v2;
	v4 =	vadd.s32 v1, v4;
	_ =	sdelay $0x1  }
0x207: {  	v3 =	vadd.s32 v1, v3;
	_ =	sdelay $0x2  }
0x208: {  	[tilespmem:s17], [sflag:$0x3] =	stream.indirect_vreg.gather [hbm4b:s3+s2], $0x80, v4, vm0, $0xb8;
	[tilespmem:$0x19800] =	vst v63  }
0x209: {  	_ = 	snop  }
0x20a: {  	[tilespmem:s18], [sflag:$0x3] =	stream.indirect_vreg.gather [hbm4b:s3+s2], $0x80, v3, vm0, $0xb8;
	[tilespmem:$0x19800] =	vst v63  }
0x20b: {  	v3 =	vld [tilespmem:s11+$0xFFFFFFA0];
	_ =	sdelay $0x4  }
0x20c: {  	v57 =	vshll.u32 v3, $0x1  }
0x20d: {  	v3 =	vand.u32 $0x7, v3;
	v4 =	vand.u32 $0xFFFFFFF0, v57  }
0x20e: {  	v3 =	vor.u32 v3, v4  }
0x20f: {  	v4 =	vperm.xlane v3, v0;
	_ =	sdelay $0x1  }
0x210: {  	v3 =	vperm.xlane v3, v2;
	v4 =	vadd.s32 v1, v4;
	_ =	sdelay $0x1  }
0x211: {  	v3 =	vadd.s32 v1, v3;
	_ =	sdelay $0x2  }
0x212: {  	[tilespmem:s19], [sflag:$0x3] =	stream.indirect_vreg.gather [hbm4b:s3+s2], $0x80, v4, vm0, $0xb8;
	[tilespmem:$0x19800] =	vst v63  }
0x213: {  	_ = 	snop  }
0x214: {  	[tilespmem:s20], [sflag:$0x3] =	stream.indirect_vreg.gather [hbm4b:s3+s2], $0x80, v3, vm0, $0xb8;
	[tilespmem:$0x19800] =	vst v63  }
0x215: {  	v3 =	vld [tilespmem:s11+$0xFFFFFFB0];
	_ =	sdelay $0x4  }
0x216: {  	v58 =	vshll.u32 v3, $0x1  }
0x217: {  	v3 =	vand.u32 $0x7, v3;
	v4 =	vand.u32 $0xFFFFFFF0, v58  }
0x218: {  	v3 =	vor.u32 v3, v4  }
0x219: {  	v4 =	vperm.xlane v3, v0;
	_ =	sdelay $0x1  }
0x21a: {  	v3 =	vperm.xlane v3, v2;
	v4 =	vadd.s32 v1, v4;
	_ =	sdelay $0x1  }
0x21b: {  	v3 =	vadd.s32 v1, v3;
	_ =	sdelay $0x2  }
0x21c: {  	[tilespmem:s21], [sflag:$0x3] =	stream.indirect_vreg.gather [hbm4b:s3+s2], $0x80, v4, vm0, $0xb8;
	[tilespmem:$0x19800] =	vst v63  }
0x21d: {  	_ = 	snop  }
0x21e: {  	[tilespmem:s22], [sflag:$0x3] =	stream.indirect_vreg.gather [hbm4b:s3+s2], $0x80, v3, vm0, $0xb8;
	[tilespmem:$0x19800] =	vst v63  }
0x21f: {  	v3 =	vld [tilespmem:s11+$0xFFFFFFC0];
	_ =	sdelay $0x4  }
0x220: {  	v59 =	vshll.u32 v3, $0x1  }
0x221: {  	v3 =	vand.u32 $0x7, v3;
	v4 =	vand.u32 $0xFFFFFFF0, v59  }
0x222: {  	v3 =	vor.u32 v3, v4  }
0x223: {  	v4 =	vperm.xlane v3, v0;
	_ =	sdelay $0x1  }
0x224: {  	v3 =	vperm.xlane v3, v2;
	v4 =	vadd.s32 v1, v4;
	_ =	sdelay $0x1  }
0x225: {  	v3 =	vadd.s32 v1, v3;
	_ =	sdelay $0x2  }
0x226: {  	[tilespmem:s23], [sflag:$0x3] =	stream.indirect_vreg.gather [hbm4b:s3+s2], $0x80, v4, vm0, $0xb8;
	[tilespmem:$0x19800] =	vst v63  }
0x227: {  	_ = 	snop  }
0x228: {  	[tilespmem:s24], [sflag:$0x3] =	stream.indirect_vreg.gather [hbm4b:s3+s2], $0x80, v3, vm0, $0xb8;
	[tilespmem:$0x19800] =	vst v63  }
0x229: {  	v3 =	vld [tilespmem:s11+$0xFFFFFFD0];
	_ =	sdelay $0x4  }
0x22a: {  	v60 =	vshll.u32 v3, $0x1  }
0x22b: {  	v3 =	vand.u32 $0x7, v3;
	v4 =	vand.u32 $0xFFFFFFF0, v60  }
0x22c: {  	v3 =	vor.u32 v3, v4  }
0x22d: {  	v4 =	vperm.xlane v3, v0;
	_ =	sdelay $0x1  }
0x22e: {  	v3 =	vperm.xlane v3, v2;
	v4 =	vadd.s32 v1, v4;
	_ =	sdelay $0x1  }
0x22f: {  	v3 =	vadd.s32 v1, v3;
	_ =	sdelay $0x2  }
0x230: {  	[tilespmem:s25], [sflag:$0x3] =	stream.indirect_vreg.gather [hbm4b:s3+s2], $0x80, v4, vm0, $0xb8;
	[tilespmem:$0x19800] =	vst v63  }
0x231: {  	_ = 	snop  }
0x232: {  	[tilespmem:s26], [sflag:$0x3] =	stream.indirect_vreg.gather [hbm4b:s3+s2], $0x80, v3, vm0, $0xb8;
	[tilespmem:$0x19800] =	vst v63  }
0x233: {  	v3 =	vld [tilespmem:s11+$0xFFFFFFE0];
	_ =	sdelay $0x4  }
0x234: {  	v61 =	vshll.u32 v3, $0x1  }
0x235: {  	v3 =	vand.u32 $0x7, v3;
	v4 =	vand.u32 $0xFFFFFFF0, v61  }
0x236: {  	v3 =	vor.u32 v3, v4  }
0x237: {  	v4 =	vperm.xlane v3, v0;
	_ =	sdelay $0x1  }
0x238: {  	v3 =	vperm.xlane v3, v2;
	v4 =	vadd.s32 v1, v4;
	_ =	sdelay $0x1  }
0x239: {  	v3 =	vadd.s32 v1, v3;
	_ =	sdelay $0x2  }
0x23a: {  	[tilespmem:s28], [sflag:$0x3] =	stream.indirect_vreg.gather [hbm4b:s3+s2], $0x80, v4, vm0, $0xb8;
	[tilespmem:$0x19800] =	vst v63  }
0x23b: {  	_ = 	snop  }
0x23c: {  	[tilespmem:s29], [sflag:$0x3] =	stream.indirect_vreg.gather [hbm4b:s3+s2], $0x80, v3, vm0, $0xb8;
	[tilespmem:$0x19800] =	vst v63  }
0x23d: {  	v3 =	vld [tilespmem:s11+$0xFFFFFFF0];
	_ =	sdelay $0x4  }
0x23e: {  	v62 =	vshll.u32 v3, $0x1  }
0x23f: {  	v3 =	vand.u32 $0x7, v3;
	v4 =	vand.u32 $0xFFFFFFF0, v62  }
0x240: {  	v3 =	vor.u32 v3, v4  }
0x241: {  	v4 =	vperm.xlane v3, v0;
	_ =	sdelay $0x1  }
0x242: {  	v3 =	vperm.xlane v3, v2;
	v4 =	vadd.s32 v1, v4;
	_ =	sdelay $0x1  }
0x243: {  	v3 =	vadd.s32 v1, v3;
	_ =	sdelay $0x2  }
0x244: {  	[tilespmem:s30], [sflag:$0x3] =	stream.indirect_vreg.gather [hbm4b:s3+s2], $0x80, v4, vm0, $0xb8;
	[tilespmem:$0x19800] =	vst v63  }
0x245: {  	_ = 	snop  }
0x246: {  	[tilespmem:s31], [sflag:$0x3] =	stream.indirect_vreg.gather [hbm4b:s3+s2], $0x80, v3, vm0, $0xb8;
	[tilespmem:$0x19800] =	vst v63  }
0x247: {  	v3 =	vld [tilespmem:s11+$0x0];
	_ =	sdelay $0x4  }
0x248: {  	v63 =	vshll.u32 v3, $0x1  }
0x249: {  	v3 =	vand.u32 $0x7, v3;
	v4 =	vand.u32 $0xFFFFFFF0, v63  }
0x24a: {  	v3 =	vor.u32 v3, v4  }
0x24b: {  	v4 =	vperm.xlane v3, v0;
	_ =	sdelay $0x1  }
0x24c: {  	v3 =	vperm.xlane v3, v2;
	v4 =	vadd.s32 v1, v4;
	_ =	sdelay $0x1  }
0x24d: {  	v3 =	vadd.s32 v1, v3  }
.Ltmp7:
0x24e: {  	_ = 	snop;
	(pc) =	sbr.rel .LBB2_8-.Ltmp7, $4  }
0x24f: {  	_ = 	snop  }
0x250: {  	[tilespmem:s0], [sflag:$0x3] =	stream.indirect_vreg.gather [hbm4b:s3+s2], $0x80, v4, vm0, $0xb8;
	[tilespmem:$0x19800] =	vst v63  }
0x251: {  	_ = 	snop  }
0x252: {  	[tilespmem:s1], [sflag:$0x3] =	stream.indirect_vreg.gather [hbm4b:s3+s2], $0x80, v3, vm0, $0xb8;
	[tilespmem:$0x19800] =	vst v63  }
.LBB2_10:
0x253: {  	_ =	sfence.sel $0x180000  }
0x254: {  	[bflag:$0x0] =	sbarrier.arrive $0xFFFF  }
0x255: {  	_ =	strace $0x90000047  }
0x256: {  	s0 =	stileid.u32;
	[bflag:$0x2] =	sbarrier.arrive $0xFFFF  }
0x257: {  	p0 =	sne.s32 s0, $0x0;
	s0 =	rddreg [dreg:$0x2]  }
0x258: {  	s0 =	sadd.s32 @!p0 $0x100000, s0  }
0x259: {  	[sflag:s0] =	ssyncadd.tile.s32 @!p0 $0x1;
	_ =	shalt  }
.Lfunc_end2:
_tile_overlayer_lowered:
.L_overlay_start_2:
0x25a: {  	(tag) =	ssettag $0x2  }
0x25b: {  	s0 =	rddreg [dreg:$0x0];
	s2 =	stileid.u32  }
0x25c: {  	s1 =	rddreg [dreg:$0x1];
	p0 =	sne.s32 s2, $0x0  }
0x25d: {  	s3 =	rddreg [dreg:$0x2];
	[bflag:$0x3] =	sbarrier.arrive $0xFFFF;
	s2 =	simm.s32 @!p0 $0x1C07  }
0x25e: {  	[timem:s3], [sflag:s2] =	dma.local @!p0 [hbm:s0], s1  }
0x25f: {  	s0 =	simm.s32 @!p0 $0x7  }
0x260: {  	_ =	swait.ge @!p0 [sflag:s0], s1  }
0x261: {  	s1 =	ssub.s32 @!p0 $0x0, s1;
	[sflag:s0] =	ssyncset.done @!p0 $0x0  }
0x262: {  	[sflag:s0] =	ssyncadd.s32 @!p0 s1  }
0x263: {  	[bflag:$0x3] =	sbarrier.arrive $0xFFFF  }
0x264: {  	_ =	shalt  }

</sc_bundles>
